<compile_context>
chip_gen: v7x
topology: tpu7x:2x2x1
jax: 0.10.2.dev20260603
libtpu: 0.0.44.dev20260713+nightly
codegen_flags: <defaults>
</compile_context>

<pallas_src>
import functools

import jax
import jax.numpy as jnp
from jax import lax
from jax.experimental import pallas as pl
from jax.experimental.pallas import tpu as pltpu
from jax.experimental.pallas import tpu_sc as plsc

_INPUT_DIM = 4096
_SUB_DIM = 64
_ATOMS = 4096
_NUM_EXPERTS = 64
_TOP_K = 2
_N_TILES = 16
_PER_TILE = _NUM_EXPERTS // _N_TILES


def _dot(a, b, dims):
    return lax.dot_general(a, b, (dims, ((), ())),
                           preferred_element_type=jnp.float32)


def _shuffle(v, perm):
    dnums = lax.GatherDimensionNumbers(
        offset_dims=(), collapsed_slice_dims=(0,), start_index_map=(0,))
    return lax.gather(v, perm[:, None], dnums, slice_sizes=(1,),
                      mode=lax.GatherScatterMode.PROMISE_IN_BOUNDS)


def _allreduce(v, op):
    lanes = lax.iota(jnp.int32, 16)
    for off in (8, 4, 2, 1):
        v = op(v, _shuffle(v, lax.bitwise_xor(lanes, off)))
    return v


def _route_sc_body(x_hbm, enc_hbm, idx_hbm, vals_hbm,
                   x_v, rows_v, cbuf, shared, stage_v, obuf_i, obuf_f):
    tid = lax.axis_index("s")
    offset = 1.0 / (_INPUT_DIM ** 0.5)
    pltpu.sync_copy(x_hbm, x_v)
    pltpu.sync_copy(enc_hbm.at[pl.ds(tid * _PER_TILE, _PER_TILE)], rows_v)
    lanes = lax.iota(jnp.int32, 16)

    cvec = jnp.full((16,), -1.0, jnp.float32)
    for r in range(_PER_TILE):
        def body(j, acc, r=r):
            return acc + rows_v[r, pl.ds(j * 16, 16)] * x_v[pl.ds(j * 16, 16)]
        acc = lax.fori_loop(0, _INPUT_DIM // 16, body,
                            jnp.zeros((16,), jnp.float32))
        c = _allreduce(acc, jnp.add)
        c = jnp.where(c >= offset, c, 0.0)
        cvec = jnp.where(lanes == r, c, cvec)
    cbuf[...] = cvec
    pltpu.sync_copy(cbuf, shared.at[tid])
    plsc.subcore_barrier()

    @pl.when(tid == 0)
    def _top2():
        pltpu.sync_copy(shared, stage_v)
        rows = [stage_v[t] for t in range(_N_TILES)]
        evecs = [lanes + t * _PER_TILE for t in range(_N_TILES)]
        m = rows[0]
        for t in range(1, _N_TILES):
            m = jnp.maximum(m, rows[t])
        v1 = _allreduce(m, jnp.maximum)
        cand = jnp.full((16,), _NUM_EXPERTS, jnp.int32)
        for t in range(_N_TILES):
            cand = jnp.minimum(
                cand, jnp.where(rows[t] == v1, evecs[t], _NUM_EXPERTS))
        i1 = _allreduce(cand, jnp.minimum)
        rows2 = [jnp.where(evecs[t] == i1, -2.0, rows[t])
                 for t in range(_N_TILES)]
        m2 = rows2[0]
        for t in range(1, _N_TILES):
            m2 = jnp.maximum(m2, rows2[t])
        v2 = _allreduce(m2, jnp.maximum)
        cand2 = jnp.full((16,), _NUM_EXPERTS, jnp.int32)
        for t in range(_N_TILES):
            cand2 = jnp.minimum(
                cand2, jnp.where(rows2[t] == v2, evecs[t], _NUM_EXPERTS))
        i2 = _allreduce(cand2, jnp.minimum)
        obuf_i[...] = jnp.where(lanes == 0, i1, jnp.where(lanes == 1, i2, 0))
        obuf_f[...] = jnp.where(lanes == 0, v1,
                                jnp.where(lanes == 1, v2, 0.0))
        pltpu.sync_copy(obuf_i, idx_hbm)
        pltpu.sync_copy(obuf_f, vals_hbm)


def _route_sc(x, top_encoder):
    mesh = plsc.VectorSubcoreMesh(
        core_axis_name="c", subcore_axis_name="s", num_cores=1)
    fn = pl.kernel(
        _route_sc_body,
        out_type=[
            jax.ShapeDtypeStruct((16,), jnp.int32),
            jax.ShapeDtypeStruct((16,), jnp.float32),
        ],
        mesh=mesh,
        scratch_types=[
            pltpu.VMEM((_INPUT_DIM,), jnp.float32),
            pltpu.VMEM((_PER_TILE, _INPUT_DIM), jnp.float32),
            pltpu.VMEM((16,), jnp.float32),
            pltpu.VMEM_SHARED((_N_TILES, 16), jnp.float32),
            pltpu.VMEM((_N_TILES, 16), jnp.float32),
            pltpu.VMEM((16,), jnp.int32),
            pltpu.VMEM((16,), jnp.float32),
        ],
    )
    return fn(x, top_encoder)


def _expert_body(idx_ref, vals_ref, w_ref, d_ref, x_ref, row_ref, out_ref):
    offset = 1.0 / (_INPUT_DIM ** 0.5)
    k = pl.program_id(0)
    w = w_ref[0]
    d = d_ref[0]
    x_row = x_ref[:]
    sub = _dot(x_row, w, ((1,), (1,)))
    t = _dot(sub, d, ((1,), (0,)))
    t = jnp.where(t >= offset, t, 0.01 * t)
    dec = _dot(t, d, ((1,), (1,)))
    rec = _dot(dec, w, ((1,), (0,)))
    row = row_ref[pl.ds(lax.rem(idx_ref[k], 8), 1), :]
    contrib = rec + vals_ref[k] * row

    @pl.when(k == 0)
    def _init():
        out_ref[...] = contrib

    @pl.when(k != 0)
    def _acc():
        out_ref[...] += contrib


def kernel(x, top_encoder, top_decoder, W_down, W_up, encoder_weights,
           decoder_weights):
    del top_decoder, W_up, encoder_weights
    x2d = x.reshape(1, _INPUT_DIM)
    idx, vals = _route_sc(x, top_encoder)

    out = pl.pallas_call(
        _expert_body,
        grid_spec=pltpu.PrefetchScalarGridSpec(
            num_scalar_prefetch=2,
            grid=(_TOP_K,),
            in_specs=[
                pl.BlockSpec((1, _SUB_DIM, _INPUT_DIM),
                             lambda k, idx, vals: (idx[k], 0, 0)),
                pl.BlockSpec((1, _SUB_DIM, _ATOMS),
                             lambda k, idx, vals: (idx[k], 0, 0)),
                pl.BlockSpec((1, _INPUT_DIM), lambda k, idx, vals: (0, 0)),
                pl.BlockSpec((8, _INPUT_DIM),
                             lambda k, idx, vals: (idx[k] // 8, 0)),
            ],
            out_specs=pl.BlockSpec((1, _INPUT_DIM),
                                   lambda k, idx, vals: (0, 0)),
        ),
        out_shape=jax.ShapeDtypeStruct((1, _INPUT_DIM), jnp.float32),
    )(idx, vals, W_down, decoder_weights, x2d, top_encoder)
    return out.reshape(_INPUT_DIM)

# --- scband reference (transcript-rebuilt; emitter-appended) ---
"""Pipeline reference for scband-mixture-of-experts-v2-10703058502307 (READ-ONLY COPY).

The authoritative reference and input builder live on the scoring server;
editing this copy changes nothing except your own understanding.
"""

import jax, jax.numpy as jnp
import numpy as np

INPUT_DIM = 4096
SUB_DIM = 64
ATOMS = 4096
NUM_EXPERTS = 64
TOP_K = 2


def leaky_offset_relu(x, negative_slope=0.01, offset=0.0):
    return jnp.where(x >= offset, x, negative_slope * x)


def naive_top_k(data, k):
    def top_1(d):
        indice = jnp.argmax(d, axis=1)
        value = jax.vmap(lambda a, b: a[b])(d, indice)
        d = jax.vmap(lambda a, b: a.at[b].set(-jnp.inf))(d, indice)
        return (d, value, indice)

    def scannable_top_1(carry, unused):
        d = carry
        d, value, indice = top_1(d)
        return (d, (value, indice))

    data, (values, indices) = jax.lax.scan(scannable_top_1, data, None, length=k)
    return (values.T.reshape(-1), indices.T.reshape(-1))


def setup_inputs(seed: int = 0) -> dict:
    key = jax.random.key(seed)
    k1, k2, k3, k4 = jax.random.split(key, 4)
    x = jax.random.normal(k1, (INPUT_DIM,), dtype=jnp.float32)
    lim_in = float(np.sqrt(6.0 / INPUT_DIM))
    top_encoder = jax.random.uniform(k2, (NUM_EXPERTS, INPUT_DIM), jnp.float32, -lim_in, lim_in)
    top_decoder = top_encoder.T
    W_down = jax.random.uniform(k3, (NUM_EXPERTS, SUB_DIM, INPUT_DIM), jnp.float32, -lim_in, lim_in)
    W_down = W_down / jnp.linalg.norm(W_down, axis=-1, keepdims=True)
    W_up = jnp.transpose(W_down, (0, 2, 1))
    lim_sub = float(np.sqrt(6.0 / SUB_DIM))
    encoder_weights = jax.random.uniform(k4, (NUM_EXPERTS, ATOMS, SUB_DIM), jnp.float32, -lim_sub, lim_sub)
    encoder_weights = encoder_weights / jnp.linalg.norm(encoder_weights, axis=-1, keepdims=True)
    decoder_weights = jnp.transpose(encoder_weights, (0, 2, 1))
    return {
        "x": x,
        "top_encoder": top_encoder,
        "top_decoder": top_decoder,
        "W_down": W_down,
        "W_up": W_up,
        "encoder_weights": encoder_weights,
        "decoder_weights": decoder_weights,
    }


def reference(x, top_encoder, top_decoder, W_down, W_up, encoder_weights, decoder_weights):
    offset = 1.0 / jnp.sqrt(INPUT_DIM)
    # encode: top-level autoencoder (negative_slope=0.0)
    codes = top_encoder @ x
    top_level_latent_codes = leaky_offset_relu(codes, negative_slope=0.0, offset=offset)
    top_k_values, top_k_indices = naive_top_k(top_level_latent_codes[None, :], TOP_K)
    # expert dispatch via gathers
    selected_W_down = W_down[top_k_indices]              # [k, sub, in]
    selected_encoder_weights = encoder_weights[top_k_indices]  # [k, atoms, sub]
    subspace_outputs = selected_W_down @ x               # [k, sub]
    expert_specific_codes = jax.vmap(lambda a, b: a @ b)(selected_encoder_weights, subspace_outputs)
    expert_specific_codes = leaky_offset_relu(expert_specific_codes, negative_slope=0.01, offset=offset)
    # decode
    top_level_output = top_decoder[:, top_k_indices] @ top_k_values  # top_k_decode, no bias
    selected_decoder_weights = decoder_weights[top_k_indices]  # [k, sub, atoms]
    selected_W_up = W_up[top_k_indices]                        # [k, in, sub]
    decoded_subspace_outputs = jax.vmap(lambda a, b: a @ b)(selected_decoder_weights, expert_specific_codes)
    reconstructed_inputs = jnp.sum(jax.vmap(lambda a, b: a @ b)(selected_W_up, decoded_subspace_outputs), axis=0)
    final_output = reconstructed_inputs + top_level_output
    return final_output

if __name__ == "__main__":
    import jax
    _d = setup_inputs()
    print(jax.jit(kernel)(*tuple(_d.values())))

</pallas_src>

<mosaic_0001>
#map = affine_map<(d0, d1) -> (0)>
#map1 = affine_map<(d0, d1) -> (0, 0)>
module attributes {stable_mosaic.version = 14 : i64} {
  func.func @_route_sc_body(%arg0: i32, %arg1: i32, %arg2: memref<4096xf32, #tpu.memory_space<hbm>>, %arg3: memref<64x4096xf32, #tpu.memory_space<hbm>>, %arg4: memref<16xi32, #tpu.memory_space<hbm>>, %arg5: memref<16xf32, #tpu.memory_space<hbm>>, %arg6: memref<4096xf32, #tpu.memory_space<vmem>>, %arg7: memref<4x4096xf32, #tpu.memory_space<vmem>>, %arg8: memref<16xf32, #tpu.memory_space<vmem>>, %arg9: memref<16x16xf32, #tpu.memory_space<vmem_shared>>, %arg10: memref<16x16xf32, #tpu.memory_space<vmem>>, %arg11: memref<16xi32, #tpu.memory_space<vmem>>, %arg12: memref<16xf32, #tpu.memory_space<vmem>>) attributes {dimension_semantics = [#tpu.dimension_semantics<core_parallel>, #tpu.dimension_semantics<subcore_parallel>], iteration_bounds = array<i64: 1, 16>, scalar_prefetch = 0 : i64, scratch_operands = 7 : i64, tpu.core_type = #tpu.core_type<sc_vector_subcore>, window_params = [{transform_indices = #map}, {transform_indices = #map1}, {transform_indices = #map}, {transform_indices = #map}]} {
    "tpu.region"() ({
      %run_scoped3A = tpu.sem_alloc : memref<!tpu.dma_semaphore, #tpu.memory_space<semaphore_mem>>
      tpu.enqueue_dma source(%arg2 : memref<4096xf32, #tpu.memory_space<hbm>>) target(%arg6 : memref<4096xf32, #tpu.memory_space<vmem>>) target_semaphore(%run_scoped3A : memref<!tpu.dma_semaphore, #tpu.memory_space<semaphore_mem>>)
      tpu.wait_dma2 semaphore(%run_scoped3A : memref<!tpu.dma_semaphore, #tpu.memory_space<semaphore_mem>>) src(%arg2 : memref<4096xf32, #tpu.memory_space<hbm>>) dst(%arg6 : memref<4096xf32, #tpu.memory_space<vmem>>)
      tpu.yield
    }) : () -> ()
    %mul3A = arith.constant 4 : i32
    %mul3A_0 = arith.muli %arg1, %mul3A : i32
    "tpu.region"() ({
      %run_scoped3A = tpu.sem_alloc : memref<!tpu.dma_semaphore, #tpu.memory_space<semaphore_mem>>
      %dma_start3A = arith.constant 0 : i32
      %dma_start3A_188 = tpu.memref_slice %arg3[%mul3A_0, %dma_start3A] : memref<64x4096xf32, #tpu.memory_space<hbm>> -> memref<4x4096xf32, #tpu.memory_space<hbm>>
      %dma_start3A_189 = arith.constant 0 : i32
      %dma_start3A_190 = tpu.memref_slice %arg3[%mul3A_0, %dma_start3A_189] : memref<64x4096xf32, #tpu.memory_space<hbm>> -> memref<4x4096xf32, #tpu.memory_space<hbm>>
      tpu.enqueue_dma source(%dma_start3A_190 : memref<4x4096xf32, #tpu.memory_space<hbm>>) target(%arg7 : memref<4x4096xf32, #tpu.memory_space<vmem>>) target_semaphore(%run_scoped3A : memref<!tpu.dma_semaphore, #tpu.memory_space<semaphore_mem>>)
      %dma_wait3A = arith.constant 0 : i32
      %dma_wait3A_191 = tpu.memref_slice %arg3[%mul3A_0, %dma_wait3A] : memref<64x4096xf32, #tpu.memory_space<hbm>> -> memref<4x4096xf32, #tpu.memory_space<hbm>>
      %dma_wait3A_192 = arith.constant 0 : i32
      %dma_wait3A_193 = tpu.memref_slice %arg3[%mul3A_0, %dma_wait3A_192] : memref<64x4096xf32, #tpu.memory_space<hbm>> -> memref<4x4096xf32, #tpu.memory_space<hbm>>
      tpu.wait_dma2 semaphore(%run_scoped3A : memref<!tpu.dma_semaphore, #tpu.memory_space<semaphore_mem>>) src(%dma_wait3A_193 : memref<4x4096xf32, #tpu.memory_space<hbm>>) dst(%arg7 : memref<4x4096xf32, #tpu.memory_space<vmem>>)
      tpu.yield
    }) : () -> ()
    %iota3A = tpu.iota {dimensions = array<i32: 0>} : vector<16xi32>
    %broadcast_in_dim3A = arith.constant -1.000000e+00 : f32
    %broadcast_in_dim3A_1 = vector.broadcast %broadcast_in_dim3A : f32 to vector<16xf32>
    %broadcast_in_dim3A_2 = arith.constant 0.000000e+00 : f32
    %broadcast_in_dim3A_3 = vector.broadcast %broadcast_in_dim3A_2 : f32 to vector<16xf32>
    %scan3A = arith.constant 0 : i32
    %scan3A_4 = arith.constant 256 : i32
    %scan3A_5 = arith.addi %scan3A, %scan3A_4 : i32
    %scan3A_6 = arith.constant 1 : i32
    %scan3A_7 = scf.for %scan3A_188 = %scan3A to %scan3A_5 step %scan3A_6 iter_args(%scan3A_189 = %broadcast_in_dim3A_3) -> (vector<16xf32>)  : i32 {
      %mul3A_190 = arith.constant 16 : i32
      %mul3A_191 = arith.muli %scan3A_188, %mul3A_190 : i32
      %get3A = arith.constant 0 : i32
      %get3A_192 = arith.index_cast %get3A : i32 to index
      %get3A_193 = arith.index_cast %mul3A_191 : i32 to index
      %get3A_194 = tpu.vector_load %arg7[%get3A_192, %get3A_193] {strides = array<i32>} : memref<4x4096xf32, #tpu.memory_space<vmem>>, vector<1x16xf32>,
      %get3A_195 = vector.shape_cast %get3A_194 : vector<1x16xf32> to vector<16xf32>
      %mul3A_196 = arith.constant 16 : i32
      %mul3A_197 = arith.muli %scan3A_188, %mul3A_196 : i32
      %get3A_198 = arith.index_cast %mul3A_197 : i32 to index
      %get3A_199 = tpu.vector_load %arg6[%get3A_198] {strides = array<i32>} : memref<4096xf32, #tpu.memory_space<vmem>>, vector<16xf32>,
      %get3A_200 = vector.shape_cast %get3A_199 : vector<16xf32> to vector<16xf32>
      %mul3A_201 = arith.mulf %get3A_195, %get3A_200 : vector<16xf32>
      %add3A_202 = arith.addf %scan3A_189, %mul3A_201 : vector<16xf32>
      scf.yield %add3A_202 : vector<16xf32>
    }
    %scan3A_8 = arith.constant 256 : i32
    %iota3A_9 = tpu.iota {dimensions = array<i32: 0>} : vector<16xi32>
    %xor3A = arith.constant 8 : i32
    %xor3A_10 = vector.broadcast %xor3A : i32 to vector<16xi32>
    %xor3A_11 = arith.xori %iota3A_9, %xor3A_10 : vector<16xi32>
    %broadcast_in_dim3A_12 = vector.shape_cast %xor3A_11 : vector<16xi32> to vector<16x1xi32>
    %gather3A = vector.shape_cast %broadcast_in_dim3A_12 : vector<16x1xi32> to vector<16xi32>
    %gather3A_13 = tpu.dynamic_gather %scan3A_7[%gather3A] in [0] : vector<16xf32>, vector<16xi32> -> vector<16xf32>
    %add3A = arith.addf %scan3A_7, %gather3A_13 : vector<16xf32>
    %xor3A_14 = arith.constant 4 : i32
    %xor3A_15 = vector.broadcast %xor3A_14 : i32 to vector<16xi32>
    %xor3A_16 = arith.xori %iota3A_9, %xor3A_15 : vector<16xi32>
    %broadcast_in_dim3A_17 = vector.shape_cast %xor3A_16 : vector<16xi32> to vector<16x1xi32>
    %gather3A_18 = vector.shape_cast %broadcast_in_dim3A_17 : vector<16x1xi32> to vector<16xi32>
    %gather3A_19 = tpu.dynamic_gather %add3A[%gather3A_18] in [0] : vector<16xf32>, vector<16xi32> -> vector<16xf32>
    %add3A_20 = arith.addf %add3A, %gather3A_19 : vector<16xf32>
    %xor3A_21 = arith.constant 2 : i32
    %xor3A_22 = vector.broadcast %xor3A_21 : i32 to vector<16xi32>
    %xor3A_23 = arith.xori %iota3A_9, %xor3A_22 : vector<16xi32>
    %broadcast_in_dim3A_24 = vector.shape_cast %xor3A_23 : vector<16xi32> to vector<16x1xi32>
    %gather3A_25 = vector.shape_cast %broadcast_in_dim3A_24 : vector<16x1xi32> to vector<16xi32>
    %gather3A_26 = tpu.dynamic_gather %add3A_20[%gather3A_25] in [0] : vector<16xf32>, vector<16xi32> -> vector<16xf32>
    %add3A_27 = arith.addf %add3A_20, %gather3A_26 : vector<16xf32>
    %xor3A_28 = arith.constant 1 : i32
    %xor3A_29 = vector.broadcast %xor3A_28 : i32 to vector<16xi32>
    %xor3A_30 = arith.xori %iota3A_9, %xor3A_29 : vector<16xi32>
    %broadcast_in_dim3A_31 = vector.shape_cast %xor3A_30 : vector<16xi32> to vector<16x1xi32>
    %gather3A_32 = vector.shape_cast %broadcast_in_dim3A_31 : vector<16x1xi32> to vector<16xi32>
    %gather3A_33 = tpu.dynamic_gather %add3A_27[%gather3A_32] in [0] : vector<16xf32>, vector<16xi32> -> vector<16xf32>
    %add3A_34 = arith.addf %add3A_27, %gather3A_33 : vector<16xf32>
    %ge3A = arith.constant 1.562500e-02 : f32
    %ge3A_35 = vector.broadcast %ge3A : f32 to vector<16xf32>
    %ge3A_36 = arith.cmpf oge, %add3A_34, %ge3A_35 : vector<16xf32>
    %jit3A = arith.constant 0.000000e+00 : f32
    %broadcast_in_dim3A_37 = vector.broadcast %jit3A : f32 to vector<16xf32>
    %select_n3A = arith.select %ge3A_36, %add3A_34, %broadcast_in_dim3A_37 : vector<16xi1>, vector<16xf32>
    %eq3A = arith.constant 0 : i32
    %eq3A_38 = vector.broadcast %eq3A : i32 to vector<16xi32>
    %eq3A_39 = arith.cmpi eq, %iota3A, %eq3A_38 : vector<16xi32>
    %select_n3A_40 = arith.select %eq3A_39, %select_n3A, %broadcast_in_dim3A_1 : vector<16xi1>, vector<16xf32>
    %broadcast_in_dim3A_41 = arith.constant 0.000000e+00 : f32
    %broadcast_in_dim3A_42 = vector.broadcast %broadcast_in_dim3A_41 : f32 to vector<16xf32>
    %scan3A_43 = arith.constant 0 : i32
    %scan3A_44 = arith.constant 256 : i32
    %scan3A_45 = arith.addi %scan3A_43, %scan3A_44 : i32
    %scan3A_46 = arith.constant 1 : i32
    %scan3A_47 = scf.for %scan3A_188 = %scan3A_43 to %scan3A_45 step %scan3A_46 iter_args(%scan3A_189 = %broadcast_in_dim3A_42) -> (vector<16xf32>)  : i32 {
      %mul3A_190 = arith.constant 16 : i32
      %mul3A_191 = arith.muli %scan3A_188, %mul3A_190 : i32
      %get3A = arith.constant 1 : i32
      %get3A_192 = arith.index_cast %get3A : i32 to index
      %get3A_193 = arith.index_cast %mul3A_191 : i32 to index
      %get3A_194 = tpu.vector_load %arg7[%get3A_192, %get3A_193] {strides = array<i32>} : memref<4x4096xf32, #tpu.memory_space<vmem>>, vector<1x16xf32>,
      %get3A_195 = vector.shape_cast %get3A_194 : vector<1x16xf32> to vector<16xf32>
      %mul3A_196 = arith.constant 16 : i32
      %mul3A_197 = arith.muli %scan3A_188, %mul3A_196 : i32
      %get3A_198 = arith.index_cast %mul3A_197 : i32 to index
      %get3A_199 = tpu.vector_load %arg6[%get3A_198] {strides = array<i32>} : memref<4096xf32, #tpu.memory_space<vmem>>, vector<16xf32>,
      %get3A_200 = vector.shape_cast %get3A_199 : vector<16xf32> to vector<16xf32>
      %mul3A_201 = arith.mulf %get3A_195, %get3A_200 : vector<16xf32>
      %add3A_202 = arith.addf %scan3A_189, %mul3A_201 : vector<16xf32>
      scf.yield %add3A_202 : vector<16xf32>
    }
    %scan3A_48 = arith.constant 256 : i32
    %iota3A_49 = tpu.iota {dimensions = array<i32: 0>} : vector<16xi32>
    %xor3A_50 = arith.constant 8 : i32
    %xor3A_51 = vector.broadcast %xor3A_50 : i32 to vector<16xi32>
    %xor3A_52 = arith.xori %iota3A_49, %xor3A_51 : vector<16xi32>
    %broadcast_in_dim3A_53 = vector.shape_cast %xor3A_52 : vector<16xi32> to vector<16x1xi32>
    %gather3A_54 = vector.shape_cast %broadcast_in_dim3A_53 : vector<16x1xi32> to vector<16xi32>
    %gather3A_55 = tpu.dynamic_gather %scan3A_47[%gather3A_54] in [0] : vector<16xf32>, vector<16xi32> -> vector<16xf32>
    %add3A_56 = arith.addf %scan3A_47, %gather3A_55 : vector<16xf32>
    %xor3A_57 = arith.constant 4 : i32
    %xor3A_58 = vector.broadcast %xor3A_57 : i32 to vector<16xi32>
    %xor3A_59 = arith.xori %iota3A_49, %xor3A_58 : vector<16xi32>
    %broadcast_in_dim3A_60 = vector.shape_cast %xor3A_59 : vector<16xi32> to vector<16x1xi32>
    %gather3A_61 = vector.shape_cast %broadcast_in_dim3A_60 : vector<16x1xi32> to vector<16xi32>
    %gather3A_62 = tpu.dynamic_gather %add3A_56[%gather3A_61] in [0] : vector<16xf32>, vector<16xi32> -> vector<16xf32>
    %add3A_63 = arith.addf %add3A_56, %gather3A_62 : vector<16xf32>
    %xor3A_64 = arith.constant 2 : i32
    %xor3A_65 = vector.broadcast %xor3A_64 : i32 to vector<16xi32>
    %xor3A_66 = arith.xori %iota3A_49, %xor3A_65 : vector<16xi32>
    %broadcast_in_dim3A_67 = vector.shape_cast %xor3A_66 : vector<16xi32> to vector<16x1xi32>
    %gather3A_68 = vector.shape_cast %broadcast_in_dim3A_67 : vector<16x1xi32> to vector<16xi32>
    %gather3A_69 = tpu.dynamic_gather %add3A_63[%gather3A_68] in [0] : vector<16xf32>, vector<16xi32> -> vector<16xf32>
    %add3A_70 = arith.addf %add3A_63, %gather3A_69 : vector<16xf32>
    %xor3A_71 = arith.constant 1 : i32
    %xor3A_72 = vector.broadcast %xor3A_71 : i32 to vector<16xi32>
    %xor3A_73 = arith.xori %iota3A_49, %xor3A_72 : vector<16xi32>
    %broadcast_in_dim3A_74 = vector.shape_cast %xor3A_73 : vector<16xi32> to vector<16x1xi32>
    %gather3A_75 = vector.shape_cast %broadcast_in_dim3A_74 : vector<16x1xi32> to vector<16xi32>
    %gather3A_76 = tpu.dynamic_gather %add3A_70[%gather3A_75] in [0] : vector<16xf32>, vector<16xi32> -> vector<16xf32>
    %add3A_77 = arith.addf %add3A_70, %gather3A_76 : vector<16xf32>
    %ge3A_78 = arith.constant 1.562500e-02 : f32
    %ge3A_79 = vector.broadcast %ge3A_78 : f32 to vector<16xf32>
    %ge3A_80 = arith.cmpf oge, %add3A_77, %ge3A_79 : vector<16xf32>
    %jit3A_81 = arith.constant 0.000000e+00 : f32
    %broadcast_in_dim3A_82 = vector.broadcast %jit3A_81 : f32 to vector<16xf32>
    %select_n3A_83 = arith.select %ge3A_80, %add3A_77, %broadcast_in_dim3A_82 : vector<16xi1>, vector<16xf32>
    %eq3A_84 = arith.constant 1 : i32
    %eq3A_85 = vector.broadcast %eq3A_84 : i32 to vector<16xi32>
    %eq3A_86 = arith.cmpi eq, %iota3A, %eq3A_85 : vector<16xi32>
    %select_n3A_87 = arith.select %eq3A_86, %select_n3A_83, %select_n3A_40 : vector<16xi1>, vector<16xf32>
    %broadcast_in_dim3A_88 = arith.constant 0.000000e+00 : f32
    %broadcast_in_dim3A_89 = vector.broadcast %broadcast_in_dim3A_88 : f32 to vector<16xf32>
    %scan3A_90 = arith.constant 0 : i32
    %scan3A_91 = arith.constant 256 : i32
    %scan3A_92 = arith.addi %scan3A_90, %scan3A_91 : i32
    %scan3A_93 = arith.constant 1 : i32
    %scan3A_94 = scf.for %scan3A_188 = %scan3A_90 to %scan3A_92 step %scan3A_93 iter_args(%scan3A_189 = %broadcast_in_dim3A_89) -> (vector<16xf32>)  : i32 {
      %mul3A_190 = arith.constant 16 : i32
      %mul3A_191 = arith.muli %scan3A_188, %mul3A_190 : i32
      %get3A = arith.constant 2 : i32
      %get3A_192 = arith.index_cast %get3A : i32 to index
      %get3A_193 = arith.index_cast %mul3A_191 : i32 to index
      %get3A_194 = tpu.vector_load %arg7[%get3A_192, %get3A_193] {strides = array<i32>} : memref<4x4096xf32, #tpu.memory_space<vmem>>, vector<1x16xf32>,
      %get3A_195 = vector.shape_cast %get3A_194 : vector<1x16xf32> to vector<16xf32>
      %mul3A_196 = arith.constant 16 : i32
      %mul3A_197 = arith.muli %scan3A_188, %mul3A_196 : i32
      %get3A_198 = arith.index_cast %mul3A_197 : i32 to index
      %get3A_199 = tpu.vector_load %arg6[%get3A_198] {strides = array<i32>} : memref<4096xf32, #tpu.memory_space<vmem>>, vector<16xf32>,
      %get3A_200 = vector.shape_cast %get3A_199 : vector<16xf32> to vector<16xf32>
      %mul3A_201 = arith.mulf %get3A_195, %get3A_200 : vector<16xf32>
      %add3A_202 = arith.addf %scan3A_189, %mul3A_201 : vector<16xf32>
      scf.yield %add3A_202 : vector<16xf32>
    }
    %scan3A_95 = arith.constant 256 : i32
    %iota3A_96 = tpu.iota {dimensions = array<i32: 0>} : vector<16xi32>
    %xor3A_97 = arith.constant 8 : i32
    %xor3A_98 = vector.broadcast %xor3A_97 : i32 to vector<16xi32>
    %xor3A_99 = arith.xori %iota3A_96, %xor3A_98 : vector<16xi32>
    %broadcast_in_dim3A_100 = vector.shape_cast %xor3A_99 : vector<16xi32> to vector<16x1xi32>
    %gather3A_101 = vector.shape_cast %broadcast_in_dim3A_100 : vector<16x1xi32> to vector<16xi32>
    %gather3A_102 = tpu.dynamic_gather %scan3A_94[%gather3A_101] in [0] : vector<16xf32>, vector<16xi32> -> vector<16xf32>
    %add3A_103 = arith.addf %scan3A_94, %gather3A_102 : vector<16xf32>
    %xor3A_104 = arith.constant 4 : i32
    %xor3A_105 = vector.broadcast %xor3A_104 : i32 to vector<16xi32>
    %xor3A_106 = arith.xori %iota3A_96, %xor3A_105 : vector<16xi32>
    %broadcast_in_dim3A_107 = vector.shape_cast %xor3A_106 : vector<16xi32> to vector<16x1xi32>
    %gather3A_108 = vector.shape_cast %broadcast_in_dim3A_107 : vector<16x1xi32> to vector<16xi32>
    %gather3A_109 = tpu.dynamic_gather %add3A_103[%gather3A_108] in [0] : vector<16xf32>, vector<16xi32> -> vector<16xf32>
    %add3A_110 = arith.addf %add3A_103, %gather3A_109 : vector<16xf32>
    %xor3A_111 = arith.constant 2 : i32
    %xor3A_112 = vector.broadcast %xor3A_111 : i32 to vector<16xi32>
    %xor3A_113 = arith.xori %iota3A_96, %xor3A_112 : vector<16xi32>
    %broadcast_in_dim3A_114 = vector.shape_cast %xor3A_113 : vector<16xi32> to vector<16x1xi32>
    %gather3A_115 = vector.shape_cast %broadcast_in_dim3A_114 : vector<16x1xi32> to vector<16xi32>
    %gather3A_116 = tpu.dynamic_gather %add3A_110[%gather3A_115] in [0] : vector<16xf32>, vector<16xi32> -> vector<16xf32>
    %add3A_117 = arith.addf %add3A_110, %gather3A_116 : vector<16xf32>
    %xor3A_118 = arith.constant 1 : i32
    %xor3A_119 = vector.broadcast %xor3A_118 : i32 to vector<16xi32>
    %xor3A_120 = arith.xori %iota3A_96, %xor3A_119 : vector<16xi32>
    %broadcast_in_dim3A_121 = vector.shape_cast %xor3A_120 : vector<16xi32> to vector<16x1xi32>
    %gather3A_122 = vector.shape_cast %broadcast_in_dim3A_121 : vector<16x1xi32> to vector<16xi32>
    %gather3A_123 = tpu.dynamic_gather %add3A_117[%gather3A_122] in [0] : vector<16xf32>, vector<16xi32> -> vector<16xf32>
    %add3A_124 = arith.addf %add3A_117, %gather3A_123 : vector<16xf32>
    %ge3A_125 = arith.constant 1.562500e-02 : f32
    %ge3A_126 = vector.broadcast %ge3A_125 : f32 to vector<16xf32>
    %ge3A_127 = arith.cmpf oge, %add3A_124, %ge3A_126 : vector<16xf32>
    %jit3A_128 = arith.constant 0.000000e+00 : f32
    %broadcast_in_dim3A_129 = vector.broadcast %jit3A_128 : f32 to vector<16xf32>
    %select_n3A_130 = arith.select %ge3A_127, %add3A_124, %broadcast_in_dim3A_129 : vector<16xi1>, vector<16xf32>
    %eq3A_131 = arith.constant 2 : i32
    %eq3A_132 = vector.broadcast %eq3A_131 : i32 to vector<16xi32>
    %eq3A_133 = arith.cmpi eq, %iota3A, %eq3A_132 : vector<16xi32>
    %select_n3A_134 = arith.select %eq3A_133, %select_n3A_130, %select_n3A_87 : vector<16xi1>, vector<16xf32>
    %broadcast_in_dim3A_135 = arith.constant 0.000000e+00 : f32
    %broadcast_in_dim3A_136 = vector.broadcast %broadcast_in_dim3A_135 : f32 to vector<16xf32>
    %scan3A_137 = arith.constant 0 : i32
    %scan3A_138 = arith.constant 256 : i32
    %scan3A_139 = arith.addi %scan3A_137, %scan3A_138 : i32
    %scan3A_140 = arith.constant 1 : i32
    %scan3A_141 = scf.for %scan3A_188 = %scan3A_137 to %scan3A_139 step %scan3A_140 iter_args(%scan3A_189 = %broadcast_in_dim3A_136) -> (vector<16xf32>)  : i32 {
      %mul3A_190 = arith.constant 16 : i32
      %mul3A_191 = arith.muli %scan3A_188, %mul3A_190 : i32
      %get3A = arith.constant 3 : i32
      %get3A_192 = arith.index_cast %get3A : i32 to index
      %get3A_193 = arith.index_cast %mul3A_191 : i32 to index
      %get3A_194 = tpu.vector_load %arg7[%get3A_192, %get3A_193] {strides = array<i32>} : memref<4x4096xf32, #tpu.memory_space<vmem>>, vector<1x16xf32>,
      %get3A_195 = vector.shape_cast %get3A_194 : vector<1x16xf32> to vector<16xf32>
      %mul3A_196 = arith.constant 16 : i32
      %mul3A_197 = arith.muli %scan3A_188, %mul3A_196 : i32
      %get3A_198 = arith.index_cast %mul3A_197 : i32 to index
      %get3A_199 = tpu.vector_load %arg6[%get3A_198] {strides = array<i32>} : memref<4096xf32, #tpu.memory_space<vmem>>, vector<16xf32>,
      %get3A_200 = vector.shape_cast %get3A_199 : vector<16xf32> to vector<16xf32>
      %mul3A_201 = arith.mulf %get3A_195, %get3A_200 : vector<16xf32>
      %add3A_202 = arith.addf %scan3A_189, %mul3A_201 : vector<16xf32>
      scf.yield %add3A_202 : vector<16xf32>
    }
    %scan3A_142 = arith.constant 256 : i32
    %iota3A_143 = tpu.iota {dimensions = array<i32: 0>} : vector<16xi32>
    %xor3A_144 = arith.constant 8 : i32
    %xor3A_145 = vector.broadcast %xor3A_144 : i32 to vector<16xi32>
    %xor3A_146 = arith.xori %iota3A_143, %xor3A_145 : vector<16xi32>
    %broadcast_in_dim3A_147 = vector.shape_cast %xor3A_146 : vector<16xi32> to vector<16x1xi32>
    %gather3A_148 = vector.shape_cast %broadcast_in_dim3A_147 : vector<16x1xi32> to vector<16xi32>
    %gather3A_149 = tpu.dynamic_gather %scan3A_141[%gather3A_148] in [0] : vector<16xf32>, vector<16xi32> -> vector<16xf32>
    %add3A_150 = arith.addf %scan3A_141, %gather3A_149 : vector<16xf32>
    %xor3A_151 = arith.constant 4 : i32
    %xor3A_152 = vector.broadcast %xor3A_151 : i32 to vector<16xi32>
    %xor3A_153 = arith.xori %iota3A_143, %xor3A_152 : vector<16xi32>
    %broadcast_in_dim3A_154 = vector.shape_cast %xor3A_153 : vector<16xi32> to vector<16x1xi32>
    %gather3A_155 = vector.shape_cast %broadcast_in_dim3A_154 : vector<16x1xi32> to vector<16xi32>
    %gather3A_156 = tpu.dynamic_gather %add3A_150[%gather3A_155] in [0] : vector<16xf32>, vector<16xi32> -> vector<16xf32>
    %add3A_157 = arith.addf %add3A_150, %gather3A_156 : vector<16xf32>
    %xor3A_158 = arith.constant 2 : i32
    %xor3A_159 = vector.broadcast %xor3A_158 : i32 to vector<16xi32>
    %xor3A_160 = arith.xori %iota3A_143, %xor3A_159 : vector<16xi32>
    %broadcast_in_dim3A_161 = vector.shape_cast %xor3A_160 : vector<16xi32> to vector<16x1xi32>
    %gather3A_162 = vector.shape_cast %broadcast_in_dim3A_161 : vector<16x1xi32> to vector<16xi32>
    %gather3A_163 = tpu.dynamic_gather %add3A_157[%gather3A_162] in [0] : vector<16xf32>, vector<16xi32> -> vector<16xf32>
    %add3A_164 = arith.addf %add3A_157, %gather3A_163 : vector<16xf32>
    %xor3A_165 = arith.constant 1 : i32
    %xor3A_166 = vector.broadcast %xor3A_165 : i32 to vector<16xi32>
    %xor3A_167 = arith.xori %iota3A_143, %xor3A_166 : vector<16xi32>
    %broadcast_in_dim3A_168 = vector.shape_cast %xor3A_167 : vector<16xi32> to vector<16x1xi32>
    %gather3A_169 = vector.shape_cast %broadcast_in_dim3A_168 : vector<16x1xi32> to vector<16xi32>
    %gather3A_170 = tpu.dynamic_gather %add3A_164[%gather3A_169] in [0] : vector<16xf32>, vector<16xi32> -> vector<16xf32>
    %add3A_171 = arith.addf %add3A_164, %gather3A_170 : vector<16xf32>
    %ge3A_172 = arith.constant 1.562500e-02 : f32
    %ge3A_173 = vector.broadcast %ge3A_172 : f32 to vector<16xf32>
    %ge3A_174 = arith.cmpf oge, %add3A_171, %ge3A_173 : vector<16xf32>
    %jit3A_175 = arith.constant 0.000000e+00 : f32
    %broadcast_in_dim3A_176 = vector.broadcast %jit3A_175 : f32 to vector<16xf32>
    %select_n3A_177 = arith.select %ge3A_174, %add3A_171, %broadcast_in_dim3A_176 : vector<16xi1>, vector<16xf32>
    %eq3A_178 = arith.constant 3 : i32
    %eq3A_179 = vector.broadcast %eq3A_178 : i32 to vector<16xi32>
    %eq3A_180 = arith.cmpi eq, %iota3A, %eq3A_179 : vector<16xi32>
    %select_n3A_181 = arith.select %eq3A_180, %select_n3A_177, %select_n3A_134 : vector<16xi1>, vector<16xf32>
    %swap3A = arith.constant 0 : index
    %swap3A_182 = tpu.vector_load %arg8[%swap3A] {strides = array<i32>} : memref<16xf32, #tpu.memory_space<vmem>>, vector<16xf32>,
    %swap3A_183 = vector.shape_cast %swap3A_182 : vector<16xf32> to vector<16xf32>
    %swap3A_184 = vector.shape_cast %select_n3A_181 : vector<16xf32> to vector<16xf32>
    tpu.vector_store %arg8[%swap3A], %swap3A_184 {strides = array<i32>} : memref<16xf32, #tpu.memory_space<vmem>>, vector<16xf32>,
    "tpu.region"() ({
      %run_scoped3A = tpu.sem_alloc : memref<!tpu.dma_semaphore, #tpu.memory_space<semaphore_mem>>
      %dma_start3A = arith.constant 0 : i32
      %dma_start3A_188 = tpu.memref_slice %arg9[%arg1, %dma_start3A] : memref<16x16xf32, #tpu.memory_space<vmem_shared>> -> memref<1x16xf32, #tpu.memory_space<vmem_shared>>
      %dma_start3A_189 = tpu.memref_squeeze %dma_start3A_188 : memref<1x16xf32, #tpu.memory_space<vmem_shared>> -> memref<16xf32, #tpu.memory_space<vmem_shared>>
      %dma_start3A_190 = arith.constant 0 : i32
      %dma_start3A_191 = tpu.memref_slice %arg9[%arg1, %dma_start3A_190] : memref<16x16xf32, #tpu.memory_space<vmem_shared>> -> memref<1x16xf32, #tpu.memory_space<vmem_shared>>
      %dma_start3A_192 = tpu.memref_squeeze %dma_start3A_191 : memref<1x16xf32, #tpu.memory_space<vmem_shared>> -> memref<16xf32, #tpu.memory_space<vmem_shared>>
      tpu.enqueue_dma source(%arg8 : memref<16xf32, #tpu.memory_space<vmem>>) target(%dma_start3A_192 : memref<16xf32, #tpu.memory_space<vmem_shared>>) target_semaphore(%run_scoped3A : memref<!tpu.dma_semaphore, #tpu.memory_space<semaphore_mem>>)
      %dma_wait3A = arith.constant 0 : i32
      %dma_wait3A_193 = tpu.memref_slice %arg9[%arg1, %dma_wait3A] : memref<16x16xf32, #tpu.memory_space<vmem_shared>> -> memref<1x16xf32, #tpu.memory_space<vmem_shared>>
      %dma_wait3A_194 = tpu.memref_squeeze %dma_wait3A_193 : memref<1x16xf32, #tpu.memory_space<vmem_shared>> -> memref<16xf32, #tpu.memory_space<vmem_shared>>
      %dma_wait3A_195 = arith.constant 0 : i32
      %dma_wait3A_196 = tpu.memref_slice %arg9[%arg1, %dma_wait3A_195] : memref<16x16xf32, #tpu.memory_space<vmem_shared>> -> memref<1x16xf32, #tpu.memory_space<vmem_shared>>
      %dma_wait3A_197 = tpu.memref_squeeze %dma_wait3A_196 : memref<1x16xf32, #tpu.memory_space<vmem_shared>> -> memref<16xf32, #tpu.memory_space<vmem_shared>>
      tpu.wait_dma2 semaphore(%run_scoped3A : memref<!tpu.dma_semaphore, #tpu.memory_space<semaphore_mem>>) src(%arg8 : memref<16xf32, #tpu.memory_space<vmem>>) dst(%dma_wait3A_197 : memref<16xf32, #tpu.memory_space<vmem_shared>>)
      tpu.yield
    }) : () -> ()
    %barrier3A = arith.constant 0 : index
    tpu.barrier barrier_id(%barrier3A)
    %eq3A_185 = arith.constant 0 : i32
    %eq3A_186 = arith.cmpi eq, %arg1, %eq3A_185 : i32
    %convert_element_type3A = arith.extui %eq3A_186 : i1 to i32
    %cond3A = arith.constant 0 : i32
    %cond3A_187 = arith.cmpi ne, %convert_element_type3A, %cond3A : i32
    scf.if %cond3A_187 {
      "tpu.region"() ({
        %run_scoped3A = tpu.sem_alloc : memref<!tpu.dma_semaphore, #tpu.memory_space<semaphore_mem>>
        tpu.enqueue_dma source(%arg9 : memref<16x16xf32, #tpu.memory_space<vmem_shared>>) target(%arg10 : memref<16x16xf32, #tpu.memory_space<vmem>>) target_semaphore(%run_scoped3A : memref<!tpu.dma_semaphore, #tpu.memory_space<semaphore_mem>>)
        tpu.wait_dma2 semaphore(%run_scoped3A : memref<!tpu.dma_semaphore, #tpu.memory_space<semaphore_mem>>) src(%arg9 : memref<16x16xf32, #tpu.memory_space<vmem_shared>>) dst(%arg10 : memref<16x16xf32, #tpu.memory_space<vmem>>)
        tpu.yield
      }) : () -> ()
      %get3A = arith.constant 0 : i32
      %get3A_188 = arith.index_cast %get3A : i32 to index
      %get3A_189 = arith.constant 0 : index
      %get3A_190 = tpu.vector_load %arg10[%get3A_188, %get3A_189] {strides = array<i32>} : memref<16x16xf32, #tpu.memory_space<vmem>>, vector<1x16xf32>,
      %get3A_191 = vector.shape_cast %get3A_190 : vector<1x16xf32> to vector<16xf32>
      %get3A_192 = arith.constant 1 : i32
      %get3A_193 = arith.index_cast %get3A_192 : i32 to index
      %get3A_194 = arith.constant 0 : index
      %get3A_195 = tpu.vector_load %arg10[%get3A_193, %get3A_194] {strides = array<i32>} : memref<16x16xf32, #tpu.memory_space<vmem>>, vector<1x16xf32>,
      %get3A_196 = vector.shape_cast %get3A_195 : vector<1x16xf32> to vector<16xf32>
      %get3A_197 = arith.constant 2 : i32
      %get3A_198 = arith.index_cast %get3A_197 : i32 to index
      %get3A_199 = arith.constant 0 : index
      %get3A_200 = tpu.vector_load %arg10[%get3A_198, %get3A_199] {strides = array<i32>} : memref<16x16xf32, #tpu.memory_space<vmem>>, vector<1x16xf32>,
      %get3A_201 = vector.shape_cast %get3A_200 : vector<1x16xf32> to vector<16xf32>
      %get3A_202 = arith.constant 3 : i32
      %get3A_203 = arith.index_cast %get3A_202 : i32 to index
      %get3A_204 = arith.constant 0 : index
      %get3A_205 = tpu.vector_load %arg10[%get3A_203, %get3A_204] {strides = array<i32>} : memref<16x16xf32, #tpu.memory_space<vmem>>, vector<1x16xf32>,
      %get3A_206 = vector.shape_cast %get3A_205 : vector<1x16xf32> to vector<16xf32>
      %get3A_207 = arith.constant 4 : i32
      %get3A_208 = arith.index_cast %get3A_207 : i32 to index
      %get3A_209 = arith.constant 0 : index
      %get3A_210 = tpu.vector_load %arg10[%get3A_208, %get3A_209] {strides = array<i32>} : memref<16x16xf32, #tpu.memory_space<vmem>>, vector<1x16xf32>,
      %get3A_211 = vector.shape_cast %get3A_210 : vector<1x16xf32> to vector<16xf32>
      %get3A_212 = arith.constant 5 : i32
      %get3A_213 = arith.index_cast %get3A_212 : i32 to index
      %get3A_214 = arith.constant 0 : index
      %get3A_215 = tpu.vector_load %arg10[%get3A_213, %get3A_214] {strides = array<i32>} : memref<16x16xf32, #tpu.memory_space<vmem>>, vector<1x16xf32>,
      %get3A_216 = vector.shape_cast %get3A_215 : vector<1x16xf32> to vector<16xf32>
      %get3A_217 = arith.constant 6 : i32
      %get3A_218 = arith.index_cast %get3A_217 : i32 to index
      %get3A_219 = arith.constant 0 : index
      %get3A_220 = tpu.vector_load %arg10[%get3A_218, %get3A_219] {strides = array<i32>} : memref<16x16xf32, #tpu.memory_space<vmem>>, vector<1x16xf32>,
      %get3A_221 = vector.shape_cast %get3A_220 : vector<1x16xf32> to vector<16xf32>
      %get3A_222 = arith.constant 7 : i32
      %get3A_223 = arith.index_cast %get3A_222 : i32 to index
      %get3A_224 = arith.constant 0 : index
      %get3A_225 = tpu.vector_load %arg10[%get3A_223, %get3A_224] {strides = array<i32>} : memref<16x16xf32, #tpu.memory_space<vmem>>, vector<1x16xf32>,
      %get3A_226 = vector.shape_cast %get3A_225 : vector<1x16xf32> to vector<16xf32>
      %get3A_227 = arith.constant 8 : i32
      %get3A_228 = arith.index_cast %get3A_227 : i32 to index
      %get3A_229 = arith.constant 0 : index
      %get3A_230 = tpu.vector_load %arg10[%get3A_228, %get3A_229] {strides = array<i32>} : memref<16x16xf32, #tpu.memory_space<vmem>>, vector<1x16xf32>,
      %get3A_231 = vector.shape_cast %get3A_230 : vector<1x16xf32> to vector<16xf32>
      %get3A_232 = arith.constant 9 : i32
      %get3A_233 = arith.index_cast %get3A_232 : i32 to index
      %get3A_234 = arith.constant 0 : index
      %get3A_235 = tpu.vector_load %arg10[%get3A_233, %get3A_234] {strides = array<i32>} : memref<16x16xf32, #tpu.memory_space<vmem>>, vector<1x16xf32>,
      %get3A_236 = vector.shape_cast %get3A_235 : vector<1x16xf32> to vector<16xf32>
      %get3A_237 = arith.constant 10 : i32
      %get3A_238 = arith.index_cast %get3A_237 : i32 to index
      %get3A_239 = arith.constant 0 : index
      %get3A_240 = tpu.vector_load %arg10[%get3A_238, %get3A_239] {strides = array<i32>} : memref<16x16xf32, #tpu.memory_space<vmem>>, vector<1x16xf32>,
      %get3A_241 = vector.shape_cast %get3A_240 : vector<1x16xf32> to vector<16xf32>
      %get3A_242 = arith.constant 11 : i32
      %get3A_243 = arith.index_cast %get3A_242 : i32 to index
      %get3A_244 = arith.constant 0 : index
      %get3A_245 = tpu.vector_load %arg10[%get3A_243, %get3A_244] {strides = array<i32>} : memref<16x16xf32, #tpu.memory_space<vmem>>, vector<1x16xf32>,
      %get3A_246 = vector.shape_cast %get3A_245 : vector<1x16xf32> to vector<16xf32>
      %get3A_247 = arith.constant 12 : i32
      %get3A_248 = arith.index_cast %get3A_247 : i32 to index
      %get3A_249 = arith.constant 0 : index
      %get3A_250 = tpu.vector_load %arg10[%get3A_248, %get3A_249] {strides = array<i32>} : memref<16x16xf32, #tpu.memory_space<vmem>>, vector<1x16xf32>,
      %get3A_251 = vector.shape_cast %get3A_250 : vector<1x16xf32> to vector<16xf32>
      %get3A_252 = arith.constant 13 : i32
      %get3A_253 = arith.index_cast %get3A_252 : i32 to index
      %get3A_254 = arith.constant 0 : index
      %get3A_255 = tpu.vector_load %arg10[%get3A_253, %get3A_254] {strides = array<i32>} : memref<16x16xf32, #tpu.memory_space<vmem>>, vector<1x16xf32>,
      %get3A_256 = vector.shape_cast %get3A_255 : vector<1x16xf32> to vector<16xf32>
      %get3A_257 = arith.constant 14 : i32
      %get3A_258 = arith.index_cast %get3A_257 : i32 to index
      %get3A_259 = arith.constant 0 : index
      %get3A_260 = tpu.vector_load %arg10[%get3A_258, %get3A_259] {strides = array<i32>} : memref<16x16xf32, #tpu.memory_space<vmem>>, vector<1x16xf32>,
      %get3A_261 = vector.shape_cast %get3A_260 : vector<1x16xf32> to vector<16xf32>
      %get3A_262 = arith.constant 15 : i32
      %get3A_263 = arith.index_cast %get3A_262 : i32 to index
      %get3A_264 = arith.constant 0 : index
      %get3A_265 = tpu.vector_load %arg10[%get3A_263, %get3A_264] {strides = array<i32>} : memref<16x16xf32, #tpu.memory_space<vmem>>, vector<1x16xf32>,
      %get3A_266 = vector.shape_cast %get3A_265 : vector<1x16xf32> to vector<16xf32>
      %add3A_267 = arith.constant 0 : i32
      %add3A_268 = vector.broadcast %add3A_267 : i32 to vector<16xi32>
      %add3A_269 = arith.addi %iota3A, %add3A_268 : vector<16xi32>
      %add3A_270 = arith.constant 4 : i32
      %add3A_271 = vector.broadcast %add3A_270 : i32 to vector<16xi32>
      %add3A_272 = arith.addi %iota3A, %add3A_271 : vector<16xi32>
      %add3A_273 = arith.constant 8 : i32
      %add3A_274 = vector.broadcast %add3A_273 : i32 to vector<16xi32>
      %add3A_275 = arith.addi %iota3A, %add3A_274 : vector<16xi32>
      %add3A_276 = arith.constant 12 : i32
      %add3A_277 = vector.broadcast %add3A_276 : i32 to vector<16xi32>
      %add3A_278 = arith.addi %iota3A, %add3A_277 : vector<16xi32>
      %add3A_279 = arith.constant 16 : i32
      %add3A_280 = vector.broadcast %add3A_279 : i32 to vector<16xi32>
      %add3A_281 = arith.addi %iota3A, %add3A_280 : vector<16xi32>
      %add3A_282 = arith.constant 20 : i32
      %add3A_283 = vector.broadcast %add3A_282 : i32 to vector<16xi32>
      %add3A_284 = arith.addi %iota3A, %add3A_283 : vector<16xi32>
      %add3A_285 = arith.constant 24 : i32
      %add3A_286 = vector.broadcast %add3A_285 : i32 to vector<16xi32>
      %add3A_287 = arith.addi %iota3A, %add3A_286 : vector<16xi32>
      %add3A_288 = arith.constant 28 : i32
      %add3A_289 = vector.broadcast %add3A_288 : i32 to vector<16xi32>
      %add3A_290 = arith.addi %iota3A, %add3A_289 : vector<16xi32>
      %add3A_291 = arith.constant 32 : i32
      %add3A_292 = vector.broadcast %add3A_291 : i32 to vector<16xi32>
      %add3A_293 = arith.addi %iota3A, %add3A_292 : vector<16xi32>
      %add3A_294 = arith.constant 36 : i32
      %add3A_295 = vector.broadcast %add3A_294 : i32 to vector<16xi32>
      %add3A_296 = arith.addi %iota3A, %add3A_295 : vector<16xi32>
      %add3A_297 = arith.constant 40 : i32
      %add3A_298 = vector.broadcast %add3A_297 : i32 to vector<16xi32>
      %add3A_299 = arith.addi %iota3A, %add3A_298 : vector<16xi32>
      %add3A_300 = arith.constant 44 : i32
      %add3A_301 = vector.broadcast %add3A_300 : i32 to vector<16xi32>
      %add3A_302 = arith.addi %iota3A, %add3A_301 : vector<16xi32>
      %add3A_303 = arith.constant 48 : i32
      %add3A_304 = vector.broadcast %add3A_303 : i32 to vector<16xi32>
      %add3A_305 = arith.addi %iota3A, %add3A_304 : vector<16xi32>
      %add3A_306 = arith.constant 52 : i32
      %add3A_307 = vector.broadcast %add3A_306 : i32 to vector<16xi32>
      %add3A_308 = arith.addi %iota3A, %add3A_307 : vector<16xi32>
      %add3A_309 = arith.constant 56 : i32
      %add3A_310 = vector.broadcast %add3A_309 : i32 to vector<16xi32>
      %add3A_311 = arith.addi %iota3A, %add3A_310 : vector<16xi32>
      %add3A_312 = arith.constant 60 : i32
      %add3A_313 = vector.broadcast %add3A_312 : i32 to vector<16xi32>
      %add3A_314 = arith.addi %iota3A, %add3A_313 : vector<16xi32>
      %max3A = arith.maximumf %get3A_191, %get3A_196 : vector<16xf32>
      %max3A_315 = arith.maximumf %max3A, %get3A_201 : vector<16xf32>
      %max3A_316 = arith.maximumf %max3A_315, %get3A_206 : vector<16xf32>
      %max3A_317 = arith.maximumf %max3A_316, %get3A_211 : vector<16xf32>
      %max3A_318 = arith.maximumf %max3A_317, %get3A_216 : vector<16xf32>
      %max3A_319 = arith.maximumf %max3A_318, %get3A_221 : vector<16xf32>
      %max3A_320 = arith.maximumf %max3A_319, %get3A_226 : vector<16xf32>
      %max3A_321 = arith.maximumf %max3A_320, %get3A_231 : vector<16xf32>
      %max3A_322 = arith.maximumf %max3A_321, %get3A_236 : vector<16xf32>
      %max3A_323 = arith.maximumf %max3A_322, %get3A_241 : vector<16xf32>
      %max3A_324 = arith.maximumf %max3A_323, %get3A_246 : vector<16xf32>
      %max3A_325 = arith.maximumf %max3A_324, %get3A_251 : vector<16xf32>
      %max3A_326 = arith.maximumf %max3A_325, %get3A_256 : vector<16xf32>
      %max3A_327 = arith.maximumf %max3A_326, %get3A_261 : vector<16xf32>
      %max3A_328 = arith.maximumf %max3A_327, %get3A_266 : vector<16xf32>
      %iota3A_329 = tpu.iota {dimensions = array<i32: 0>} : vector<16xi32>
      %xor3A_330 = arith.constant 8 : i32
      %xor3A_331 = vector.broadcast %xor3A_330 : i32 to vector<16xi32>
      %xor3A_332 = arith.xori %iota3A_329, %xor3A_331 : vector<16xi32>
      %broadcast_in_dim3A_333 = vector.shape_cast %xor3A_332 : vector<16xi32> to vector<16x1xi32>
      %gather3A_334 = vector.shape_cast %broadcast_in_dim3A_333 : vector<16x1xi32> to vector<16xi32>
      %gather3A_335 = tpu.dynamic_gather %max3A_328[%gather3A_334] in [0] : vector<16xf32>, vector<16xi32> -> vector<16xf32>
      %max3A_336 = arith.maximumf %max3A_328, %gather3A_335 : vector<16xf32>
      %xor3A_337 = arith.constant 4 : i32
      %xor3A_338 = vector.broadcast %xor3A_337 : i32 to vector<16xi32>
      %xor3A_339 = arith.xori %iota3A_329, %xor3A_338 : vector<16xi32>
      %broadcast_in_dim3A_340 = vector.shape_cast %xor3A_339 : vector<16xi32> to vector<16x1xi32>
      %gather3A_341 = vector.shape_cast %broadcast_in_dim3A_340 : vector<16x1xi32> to vector<16xi32>
      %gather3A_342 = tpu.dynamic_gather %max3A_336[%gather3A_341] in [0] : vector<16xf32>, vector<16xi32> -> vector<16xf32>
      %max3A_343 = arith.maximumf %max3A_336, %gather3A_342 : vector<16xf32>
      %xor3A_344 = arith.constant 2 : i32
      %xor3A_345 = vector.broadcast %xor3A_344 : i32 to vector<16xi32>
      %xor3A_346 = arith.xori %iota3A_329, %xor3A_345 : vector<16xi32>
      %broadcast_in_dim3A_347 = vector.shape_cast %xor3A_346 : vector<16xi32> to vector<16x1xi32>
      %gather3A_348 = vector.shape_cast %broadcast_in_dim3A_347 : vector<16x1xi32> to vector<16xi32>
      %gather3A_349 = tpu.dynamic_gather %max3A_343[%gather3A_348] in [0] : vector<16xf32>, vector<16xi32> -> vector<16xf32>
      %max3A_350 = arith.maximumf %max3A_343, %gather3A_349 : vector<16xf32>
      %xor3A_351 = arith.constant 1 : i32
      %xor3A_352 = vector.broadcast %xor3A_351 : i32 to vector<16xi32>
      %xor3A_353 = arith.xori %iota3A_329, %xor3A_352 : vector<16xi32>
      %broadcast_in_dim3A_354 = vector.shape_cast %xor3A_353 : vector<16xi32> to vector<16x1xi32>
      %gather3A_355 = vector.shape_cast %broadcast_in_dim3A_354 : vector<16x1xi32> to vector<16xi32>
      %gather3A_356 = tpu.dynamic_gather %max3A_350[%gather3A_355] in [0] : vector<16xf32>, vector<16xi32> -> vector<16xf32>
      %max3A_357 = arith.maximumf %max3A_350, %gather3A_356 : vector<16xf32>
      %broadcast_in_dim3A_358 = arith.constant 64 : i32
      %broadcast_in_dim3A_359 = vector.broadcast %broadcast_in_dim3A_358 : i32 to vector<16xi32>
      %eq3A_360 = arith.cmpf oeq, %get3A_191, %max3A_357 : vector<16xf32>
      %jit3A_361 = arith.constant 64 : i32
      %broadcast_in_dim3A_362 = vector.broadcast %jit3A_361 : i32 to vector<16xi32>
      %select_n3A_363 = arith.select %eq3A_360, %add3A_269, %broadcast_in_dim3A_362 : vector<16xi1>, vector<16xi32>
      %min3A = arith.minsi %broadcast_in_dim3A_359, %select_n3A_363 : vector<16xi32>
      %eq3A_364 = arith.cmpf oeq, %get3A_196, %max3A_357 : vector<16xf32>
      %jit3A_365 = arith.constant 64 : i32
      %broadcast_in_dim3A_366 = vector.broadcast %jit3A_365 : i32 to vector<16xi32>
      %select_n3A_367 = arith.select %eq3A_364, %add3A_272, %broadcast_in_dim3A_366 : vector<16xi1>, vector<16xi32>
      %min3A_368 = arith.minsi %min3A, %select_n3A_367 : vector<16xi32>
      %eq3A_369 = arith.cmpf oeq, %get3A_201, %max3A_357 : vector<16xf32>
      %jit3A_370 = arith.constant 64 : i32
      %broadcast_in_dim3A_371 = vector.broadcast %jit3A_370 : i32 to vector<16xi32>
      %select_n3A_372 = arith.select %eq3A_369, %add3A_275, %broadcast_in_dim3A_371 : vector<16xi1>, vector<16xi32>
      %min3A_373 = arith.minsi %min3A_368, %select_n3A_372 : vector<16xi32>
      %eq3A_374 = arith.cmpf oeq, %get3A_206, %max3A_357 : vector<16xf32>
      %jit3A_375 = arith.constant 64 : i32
      %broadcast_in_dim3A_376 = vector.broadcast %jit3A_375 : i32 to vector<16xi32>
      %select_n3A_377 = arith.select %eq3A_374, %add3A_278, %broadcast_in_dim3A_376 : vector<16xi1>, vector<16xi32>
      %min3A_378 = arith.minsi %min3A_373, %select_n3A_377 : vector<16xi32>
      %eq3A_379 = arith.cmpf oeq, %get3A_211, %max3A_357 : vector<16xf32>
      %jit3A_380 = arith.constant 64 : i32
      %broadcast_in_dim3A_381 = vector.broadcast %jit3A_380 : i32 to vector<16xi32>
      %select_n3A_382 = arith.select %eq3A_379, %add3A_281, %broadcast_in_dim3A_381 : vector<16xi1>, vector<16xi32>
      %min3A_383 = arith.minsi %min3A_378, %select_n3A_382 : vector<16xi32>
      %eq3A_384 = arith.cmpf oeq, %get3A_216, %max3A_357 : vector<16xf32>
      %jit3A_385 = arith.constant 64 : i32
      %broadcast_in_dim3A_386 = vector.broadcast %jit3A_385 : i32 to vector<16xi32>
      %select_n3A_387 = arith.select %eq3A_384, %add3A_284, %broadcast_in_dim3A_386 : vector<16xi1>, vector<16xi32>
      %min3A_388 = arith.minsi %min3A_383, %select_n3A_387 : vector<16xi32>
      %eq3A_389 = arith.cmpf oeq, %get3A_221, %max3A_357 : vector<16xf32>
      %jit3A_390 = arith.constant 64 : i32
      %broadcast_in_dim3A_391 = vector.broadcast %jit3A_390 : i32 to vector<16xi32>
      %select_n3A_392 = arith.select %eq3A_389, %add3A_287, %broadcast_in_dim3A_391 : vector<16xi1>, vector<16xi32>
      %min3A_393 = arith.minsi %min3A_388, %select_n3A_392 : vector<16xi32>
      %eq3A_394 = arith.cmpf oeq, %get3A_226, %max3A_357 : vector<16xf32>
      %jit3A_395 = arith.constant 64 : i32
      %broadcast_in_dim3A_396 = vector.broadcast %jit3A_395 : i32 to vector<16xi32>
      %select_n3A_397 = arith.select %eq3A_394, %add3A_290, %broadcast_in_dim3A_396 : vector<16xi1>, vector<16xi32>
      %min3A_398 = arith.minsi %min3A_393, %select_n3A_397 : vector<16xi32>
      %eq3A_399 = arith.cmpf oeq, %get3A_231, %max3A_357 : vector<16xf32>
      %jit3A_400 = arith.constant 64 : i32
      %broadcast_in_dim3A_401 = vector.broadcast %jit3A_400 : i32 to vector<16xi32>
      %select_n3A_402 = arith.select %eq3A_399, %add3A_293, %broadcast_in_dim3A_401 : vector<16xi1>, vector<16xi32>
      %min3A_403 = arith.minsi %min3A_398, %select_n3A_402 : vector<16xi32>
      %eq3A_404 = arith.cmpf oeq, %get3A_236, %max3A_357 : vector<16xf32>
      %jit3A_405 = arith.constant 64 : i32
      %broadcast_in_dim3A_406 = vector.broadcast %jit3A_405 : i32 to vector<16xi32>
      %select_n3A_407 = arith.select %eq3A_404, %add3A_296, %broadcast_in_dim3A_406 : vector<16xi1>, vector<16xi32>
      %min3A_408 = arith.minsi %min3A_403, %select_n3A_407 : vector<16xi32>
      %eq3A_409 = arith.cmpf oeq, %get3A_241, %max3A_357 : vector<16xf32>
      %jit3A_410 = arith.constant 64 : i32
      %broadcast_in_dim3A_411 = vector.broadcast %jit3A_410 : i32 to vector<16xi32>
      %select_n3A_412 = arith.select %eq3A_409, %add3A_299, %broadcast_in_dim3A_411 : vector<16xi1>, vector<16xi32>
      %min3A_413 = arith.minsi %min3A_408, %select_n3A_412 : vector<16xi32>
      %eq3A_414 = arith.cmpf oeq, %get3A_246, %max3A_357 : vector<16xf32>
      %jit3A_415 = arith.constant 64 : i32
      %broadcast_in_dim3A_416 = vector.broadcast %jit3A_415 : i32 to vector<16xi32>
      %select_n3A_417 = arith.select %eq3A_414, %add3A_302, %broadcast_in_dim3A_416 : vector<16xi1>, vector<16xi32>
      %min3A_418 = arith.minsi %min3A_413, %select_n3A_417 : vector<16xi32>
      %eq3A_419 = arith.cmpf oeq, %get3A_251, %max3A_357 : vector<16xf32>
      %jit3A_420 = arith.constant 64 : i32
      %broadcast_in_dim3A_421 = vector.broadcast %jit3A_420 : i32 to vector<16xi32>
      %select_n3A_422 = arith.select %eq3A_419, %add3A_305, %broadcast_in_dim3A_421 : vector<16xi1>, vector<16xi32>
      %min3A_423 = arith.minsi %min3A_418, %select_n3A_422 : vector<16xi32>
      %eq3A_424 = arith.cmpf oeq, %get3A_256, %max3A_357 : vector<16xf32>
      %jit3A_425 = arith.constant 64 : i32
      %broadcast_in_dim3A_426 = vector.broadcast %jit3A_425 : i32 to vector<16xi32>
      %select_n3A_427 = arith.select %eq3A_424, %add3A_308, %broadcast_in_dim3A_426 : vector<16xi1>, vector<16xi32>
      %min3A_428 = arith.minsi %min3A_423, %select_n3A_427 : vector<16xi32>
      %eq3A_429 = arith.cmpf oeq, %get3A_261, %max3A_357 : vector<16xf32>
      %jit3A_430 = arith.constant 64 : i32
      %broadcast_in_dim3A_431 = vector.broadcast %jit3A_430 : i32 to vector<16xi32>
      %select_n3A_432 = arith.select %eq3A_429, %add3A_311, %broadcast_in_dim3A_431 : vector<16xi1>, vector<16xi32>
      %min3A_433 = arith.minsi %min3A_428, %select_n3A_432 : vector<16xi32>
      %eq3A_434 = arith.cmpf oeq, %get3A_266, %max3A_357 : vector<16xf32>
      %jit3A_435 = arith.constant 64 : i32
      %broadcast_in_dim3A_436 = vector.broadcast %jit3A_435 : i32 to vector<16xi32>
      %select_n3A_437 = arith.select %eq3A_434, %add3A_314, %broadcast_in_dim3A_436 : vector<16xi1>, vector<16xi32>
      %min3A_438 = arith.minsi %min3A_433, %select_n3A_437 : vector<16xi32>
      %iota3A_439 = tpu.iota {dimensions = array<i32: 0>} : vector<16xi32>
      %xor3A_440 = arith.constant 8 : i32
      %xor3A_441 = vector.broadcast %xor3A_440 : i32 to vector<16xi32>
      %xor3A_442 = arith.xori %iota3A_439, %xor3A_441 : vector<16xi32>
      %broadcast_in_dim3A_443 = vector.shape_cast %xor3A_442 : vector<16xi32> to vector<16x1xi32>
      %gather3A_444 = vector.shape_cast %broadcast_in_dim3A_443 : vector<16x1xi32> to vector<16xi32>
      %gather3A_445 = tpu.dynamic_gather %min3A_438[%gather3A_444] in [0] : vector<16xi32>, vector<16xi32> -> vector<16xi32>
      %min3A_446 = arith.minsi %min3A_438, %gather3A_445 : vector<16xi32>
      %xor3A_447 = arith.constant 4 : i32
      %xor3A_448 = vector.broadcast %xor3A_447 : i32 to vector<16xi32>
      %xor3A_449 = arith.xori %iota3A_439, %xor3A_448 : vector<16xi32>
      %broadcast_in_dim3A_450 = vector.shape_cast %xor3A_449 : vector<16xi32> to vector<16x1xi32>
      %gather3A_451 = vector.shape_cast %broadcast_in_dim3A_450 : vector<16x1xi32> to vector<16xi32>
      %gather3A_452 = tpu.dynamic_gather %min3A_446[%gather3A_451] in [0] : vector<16xi32>, vector<16xi32> -> vector<16xi32>
      %min3A_453 = arith.minsi %min3A_446, %gather3A_452 : vector<16xi32>
      %xor3A_454 = arith.constant 2 : i32
      %xor3A_455 = vector.broadcast %xor3A_454 : i32 to vector<16xi32>
      %xor3A_456 = arith.xori %iota3A_439, %xor3A_455 : vector<16xi32>
      %broadcast_in_dim3A_457 = vector.shape_cast %xor3A_456 : vector<16xi32> to vector<16x1xi32>
      %gather3A_458 = vector.shape_cast %broadcast_in_dim3A_457 : vector<16x1xi32> to vector<16xi32>
      %gather3A_459 = tpu.dynamic_gather %min3A_453[%gather3A_458] in [0] : vector<16xi32>, vector<16xi32> -> vector<16xi32>
      %min3A_460 = arith.minsi %min3A_453, %gather3A_459 : vector<16xi32>
      %xor3A_461 = arith.constant 1 : i32
      %xor3A_462 = vector.broadcast %xor3A_461 : i32 to vector<16xi32>
      %xor3A_463 = arith.xori %iota3A_439, %xor3A_462 : vector<16xi32>
      %broadcast_in_dim3A_464 = vector.shape_cast %xor3A_463 : vector<16xi32> to vector<16x1xi32>
      %gather3A_465 = vector.shape_cast %broadcast_in_dim3A_464 : vector<16x1xi32> to vector<16xi32>
      %gather3A_466 = tpu.dynamic_gather %min3A_460[%gather3A_465] in [0] : vector<16xi32>, vector<16xi32> -> vector<16xi32>
      %min3A_467 = arith.minsi %min3A_460, %gather3A_466 : vector<16xi32>
      %eq3A_468 = arith.cmpi eq, %add3A_269, %min3A_467 : vector<16xi32>
      %jit3A_469 = arith.constant -2.000000e+00 : f32
      %broadcast_in_dim3A_470 = vector.broadcast %jit3A_469 : f32 to vector<16xf32>
      %select_n3A_471 = arith.select %eq3A_468, %broadcast_in_dim3A_470, %get3A_191 : vector<16xi1>, vector<16xf32>
      %eq3A_472 = arith.cmpi eq, %add3A_272, %min3A_467 : vector<16xi32>
      %jit3A_473 = arith.constant -2.000000e+00 : f32
      %broadcast_in_dim3A_474 = vector.broadcast %jit3A_473 : f32 to vector<16xf32>
      %select_n3A_475 = arith.select %eq3A_472, %broadcast_in_dim3A_474, %get3A_196 : vector<16xi1>, vector<16xf32>
      %eq3A_476 = arith.cmpi eq, %add3A_275, %min3A_467 : vector<16xi32>
      %jit3A_477 = arith.constant -2.000000e+00 : f32
      %broadcast_in_dim3A_478 = vector.broadcast %jit3A_477 : f32 to vector<16xf32>
      %select_n3A_479 = arith.select %eq3A_476, %broadcast_in_dim3A_478, %get3A_201 : vector<16xi1>, vector<16xf32>
      %eq3A_480 = arith.cmpi eq, %add3A_278, %min3A_467 : vector<16xi32>
      %jit3A_481 = arith.constant -2.000000e+00 : f32
      %broadcast_in_dim3A_482 = vector.broadcast %jit3A_481 : f32 to vector<16xf32>
      %select_n3A_483 = arith.select %eq3A_480, %broadcast_in_dim3A_482, %get3A_206 : vector<16xi1>, vector<16xf32>
      %eq3A_484 = arith.cmpi eq, %add3A_281, %min3A_467 : vector<16xi32>
      %jit3A_485 = arith.constant -2.000000e+00 : f32
      %broadcast_in_dim3A_486 = vector.broadcast %jit3A_485 : f32 to vector<16xf32>
      %select_n3A_487 = arith.select %eq3A_484, %broadcast_in_dim3A_486, %get3A_211 : vector<16xi1>, vector<16xf32>
      %eq3A_488 = arith.cmpi eq, %add3A_284, %min3A_467 : vector<16xi32>
      %jit3A_489 = arith.constant -2.000000e+00 : f32
      %broadcast_in_dim3A_490 = vector.broadcast %jit3A_489 : f32 to vector<16xf32>
      %select_n3A_491 = arith.select %eq3A_488, %broadcast_in_dim3A_490, %get3A_216 : vector<16xi1>, vector<16xf32>
      %eq3A_492 = arith.cmpi eq, %add3A_287, %min3A_467 : vector<16xi32>
      %jit3A_493 = arith.constant -2.000000e+00 : f32
      %broadcast_in_dim3A_494 = vector.broadcast %jit3A_493 : f32 to vector<16xf32>
      %select_n3A_495 = arith.select %eq3A_492, %broadcast_in_dim3A_494, %get3A_221 : vector<16xi1>, vector<16xf32>
      %eq3A_496 = arith.cmpi eq, %add3A_290, %min3A_467 : vector<16xi32>
      %jit3A_497 = arith.constant -2.000000e+00 : f32
      %broadcast_in_dim3A_498 = vector.broadcast %jit3A_497 : f32 to vector<16xf32>
      %select_n3A_499 = arith.select %eq3A_496, %broadcast_in_dim3A_498, %get3A_226 : vector<16xi1>, vector<16xf32>
      %eq3A_500 = arith.cmpi eq, %add3A_293, %min3A_467 : vector<16xi32>
      %jit3A_501 = arith.constant -2.000000e+00 : f32
      %broadcast_in_dim3A_502 = vector.broadcast %jit3A_501 : f32 to vector<16xf32>
      %select_n3A_503 = arith.select %eq3A_500, %broadcast_in_dim3A_502, %get3A_231 : vector<16xi1>, vector<16xf32>
      %eq3A_504 = arith.cmpi eq, %add3A_296, %min3A_467 : vector<16xi32>
      %jit3A_505 = arith.constant -2.000000e+00 : f32
      %broadcast_in_dim3A_506 = vector.broadcast %jit3A_505 : f32 to vector<16xf32>
      %select_n3A_507 = arith.select %eq3A_504, %broadcast_in_dim3A_506, %get3A_236 : vector<16xi1>, vector<16xf32>
      %eq3A_508 = arith.cmpi eq, %add3A_299, %min3A_467 : vector<16xi32>
      %jit3A_509 = arith.constant -2.000000e+00 : f32
      %broadcast_in_dim3A_510 = vector.broadcast %jit3A_509 : f32 to vector<16xf32>
      %select_n3A_511 = arith.select %eq3A_508, %broadcast_in_dim3A_510, %get3A_241 : vector<16xi1>, vector<16xf32>
      %eq3A_512 = arith.cmpi eq, %add3A_302, %min3A_467 : vector<16xi32>
      %jit3A_513 = arith.constant -2.000000e+00 : f32
      %broadcast_in_dim3A_514 = vector.broadcast %jit3A_513 : f32 to vector<16xf32>
      %select_n3A_515 = arith.select %eq3A_512, %broadcast_in_dim3A_514, %get3A_246 : vector<16xi1>, vector<16xf32>
      %eq3A_516 = arith.cmpi eq, %add3A_305, %min3A_467 : vector<16xi32>
      %jit3A_517 = arith.constant -2.000000e+00 : f32
      %broadcast_in_dim3A_518 = vector.broadcast %jit3A_517 : f32 to vector<16xf32>
      %select_n3A_519 = arith.select %eq3A_516, %broadcast_in_dim3A_518, %get3A_251 : vector<16xi1>, vector<16xf32>
      %eq3A_520 = arith.cmpi eq, %add3A_308, %min3A_467 : vector<16xi32>
      %jit3A_521 = arith.constant -2.000000e+00 : f32
      %broadcast_in_dim3A_522 = vector.broadcast %jit3A_521 : f32 to vector<16xf32>
      %select_n3A_523 = arith.select %eq3A_520, %broadcast_in_dim3A_522, %get3A_256 : vector<16xi1>, vector<16xf32>
      %eq3A_524 = arith.cmpi eq, %add3A_311, %min3A_467 : vector<16xi32>
      %jit3A_525 = arith.constant -2.000000e+00 : f32
      %broadcast_in_dim3A_526 = vector.broadcast %jit3A_525 : f32 to vector<16xf32>
      %select_n3A_527 = arith.select %eq3A_524, %broadcast_in_dim3A_526, %get3A_261 : vector<16xi1>, vector<16xf32>
      %eq3A_528 = arith.cmpi eq, %add3A_314, %min3A_467 : vector<16xi32>
      %jit3A_529 = arith.constant -2.000000e+00 : f32
      %broadcast_in_dim3A_530 = vector.broadcast %jit3A_529 : f32 to vector<16xf32>
      %select_n3A_531 = arith.select %eq3A_528, %broadcast_in_dim3A_530, %get3A_266 : vector<16xi1>, vector<16xf32>
      %max3A_532 = arith.maximumf %select_n3A_471, %select_n3A_475 : vector<16xf32>
      %max3A_533 = arith.maximumf %max3A_532, %select_n3A_479 : vector<16xf32>
      %max3A_534 = arith.maximumf %max3A_533, %select_n3A_483 : vector<16xf32>
      %max3A_535 = arith.maximumf %max3A_534, %select_n3A_487 : vector<16xf32>
      %max3A_536 = arith.maximumf %max3A_535, %select_n3A_491 : vector<16xf32>
      %max3A_537 = arith.maximumf %max3A_536, %select_n3A_495 : vector<16xf32>
      %max3A_538 = arith.maximumf %max3A_537, %select_n3A_499 : vector<16xf32>
      %max3A_539 = arith.maximumf %max3A_538, %select_n3A_503 : vector<16xf32>
      %max3A_540 = arith.maximumf %max3A_539, %select_n3A_507 : vector<16xf32>
      %max3A_541 = arith.maximumf %max3A_540, %select_n3A_511 : vector<16xf32>
      %max3A_542 = arith.maximumf %max3A_541, %select_n3A_515 : vector<16xf32>
      %max3A_543 = arith.maximumf %max3A_542, %select_n3A_519 : vector<16xf32>
      %max3A_544 = arith.maximumf %max3A_543, %select_n3A_523 : vector<16xf32>
      %max3A_545 = arith.maximumf %max3A_544, %select_n3A_527 : vector<16xf32>
      %max3A_546 = arith.maximumf %max3A_545, %select_n3A_531 : vector<16xf32>
      %iota3A_547 = tpu.iota {dimensions = array<i32: 0>} : vector<16xi32>
      %xor3A_548 = arith.constant 8 : i32
      %xor3A_549 = vector.broadcast %xor3A_548 : i32 to vector<16xi32>
      %xor3A_550 = arith.xori %iota3A_547, %xor3A_549 : vector<16xi32>
      %broadcast_in_dim3A_551 = vector.shape_cast %xor3A_550 : vector<16xi32> to vector<16x1xi32>
      %gather3A_552 = vector.shape_cast %broadcast_in_dim3A_551 : vector<16x1xi32> to vector<16xi32>
      %gather3A_553 = tpu.dynamic_gather %max3A_546[%gather3A_552] in [0] : vector<16xf32>, vector<16xi32> -> vector<16xf32>
      %max3A_554 = arith.maximumf %max3A_546, %gather3A_553 : vector<16xf32>
      %xor3A_555 = arith.constant 4 : i32
      %xor3A_556 = vector.broadcast %xor3A_555 : i32 to vector<16xi32>
      %xor3A_557 = arith.xori %iota3A_547, %xor3A_556 : vector<16xi32>
      %broadcast_in_dim3A_558 = vector.shape_cast %xor3A_557 : vector<16xi32> to vector<16x1xi32>
      %gather3A_559 = vector.shape_cast %broadcast_in_dim3A_558 : vector<16x1xi32> to vector<16xi32>
      %gather3A_560 = tpu.dynamic_gather %max3A_554[%gather3A_559] in [0] : vector<16xf32>, vector<16xi32> -> vector<16xf32>
      %max3A_561 = arith.maximumf %max3A_554, %gather3A_560 : vector<16xf32>
      %xor3A_562 = arith.constant 2 : i32
      %xor3A_563 = vector.broadcast %xor3A_562 : i32 to vector<16xi32>
      %xor3A_564 = arith.xori %iota3A_547, %xor3A_563 : vector<16xi32>
      %broadcast_in_dim3A_565 = vector.shape_cast %xor3A_564 : vector<16xi32> to vector<16x1xi32>
      %gather3A_566 = vector.shape_cast %broadcast_in_dim3A_565 : vector<16x1xi32> to vector<16xi32>
      %gather3A_567 = tpu.dynamic_gather %max3A_561[%gather3A_566] in [0] : vector<16xf32>, vector<16xi32> -> vector<16xf32>
      %max3A_568 = arith.maximumf %max3A_561, %gather3A_567 : vector<16xf32>
      %xor3A_569 = arith.constant 1 : i32
      %xor3A_570 = vector.broadcast %xor3A_569 : i32 to vector<16xi32>
      %xor3A_571 = arith.xori %iota3A_547, %xor3A_570 : vector<16xi32>
      %broadcast_in_dim3A_572 = vector.shape_cast %xor3A_571 : vector<16xi32> to vector<16x1xi32>
      %gather3A_573 = vector.shape_cast %broadcast_in_dim3A_572 : vector<16x1xi32> to vector<16xi32>
      %gather3A_574 = tpu.dynamic_gather %max3A_568[%gather3A_573] in [0] : vector<16xf32>, vector<16xi32> -> vector<16xf32>
      %max3A_575 = arith.maximumf %max3A_568, %gather3A_574 : vector<16xf32>
      %broadcast_in_dim3A_576 = arith.constant 64 : i32
      %broadcast_in_dim3A_577 = vector.broadcast %broadcast_in_dim3A_576 : i32 to vector<16xi32>
      %eq3A_578 = arith.cmpf oeq, %select_n3A_471, %max3A_575 : vector<16xf32>
      %jit3A_579 = arith.constant 64 : i32
      %broadcast_in_dim3A_580 = vector.broadcast %jit3A_579 : i32 to vector<16xi32>
      %select_n3A_581 = arith.select %eq3A_578, %add3A_269, %broadcast_in_dim3A_580 : vector<16xi1>, vector<16xi32>
      %min3A_582 = arith.minsi %broadcast_in_dim3A_577, %select_n3A_581 : vector<16xi32>
      %eq3A_583 = arith.cmpf oeq, %select_n3A_475, %max3A_575 : vector<16xf32>
      %jit3A_584 = arith.constant 64 : i32
      %broadcast_in_dim3A_585 = vector.broadcast %jit3A_584 : i32 to vector<16xi32>
      %select_n3A_586 = arith.select %eq3A_583, %add3A_272, %broadcast_in_dim3A_585 : vector<16xi1>, vector<16xi32>
      %min3A_587 = arith.minsi %min3A_582, %select_n3A_586 : vector<16xi32>
      %eq3A_588 = arith.cmpf oeq, %select_n3A_479, %max3A_575 : vector<16xf32>
      %jit3A_589 = arith.constant 64 : i32
      %broadcast_in_dim3A_590 = vector.broadcast %jit3A_589 : i32 to vector<16xi32>
      %select_n3A_591 = arith.select %eq3A_588, %add3A_275, %broadcast_in_dim3A_590 : vector<16xi1>, vector<16xi32>
      %min3A_592 = arith.minsi %min3A_587, %select_n3A_591 : vector<16xi32>
      %eq3A_593 = arith.cmpf oeq, %select_n3A_483, %max3A_575 : vector<16xf32>
      %jit3A_594 = arith.constant 64 : i32
      %broadcast_in_dim3A_595 = vector.broadcast %jit3A_594 : i32 to vector<16xi32>
      %select_n3A_596 = arith.select %eq3A_593, %add3A_278, %broadcast_in_dim3A_595 : vector<16xi1>, vector<16xi32>
      %min3A_597 = arith.minsi %min3A_592, %select_n3A_596 : vector<16xi32>
      %eq3A_598 = arith.cmpf oeq, %select_n3A_487, %max3A_575 : vector<16xf32>
      %jit3A_599 = arith.constant 64 : i32
      %broadcast_in_dim3A_600 = vector.broadcast %jit3A_599 : i32 to vector<16xi32>
      %select_n3A_601 = arith.select %eq3A_598, %add3A_281, %broadcast_in_dim3A_600 : vector<16xi1>, vector<16xi32>
      %min3A_602 = arith.minsi %min3A_597, %select_n3A_601 : vector<16xi32>
      %eq3A_603 = arith.cmpf oeq, %select_n3A_491, %max3A_575 : vector<16xf32>
      %jit3A_604 = arith.constant 64 : i32
      %broadcast_in_dim3A_605 = vector.broadcast %jit3A_604 : i32 to vector<16xi32>
      %select_n3A_606 = arith.select %eq3A_603, %add3A_284, %broadcast_in_dim3A_605 : vector<16xi1>, vector<16xi32>
      %min3A_607 = arith.minsi %min3A_602, %select_n3A_606 : vector<16xi32>
      %eq3A_608 = arith.cmpf oeq, %select_n3A_495, %max3A_575 : vector<16xf32>
      %jit3A_609 = arith.constant 64 : i32
      %broadcast_in_dim3A_610 = vector.broadcast %jit3A_609 : i32 to vector<16xi32>
      %select_n3A_611 = arith.select %eq3A_608, %add3A_287, %broadcast_in_dim3A_610 : vector<16xi1>, vector<16xi32>
      %min3A_612 = arith.minsi %min3A_607, %select_n3A_611 : vector<16xi32>
      %eq3A_613 = arith.cmpf oeq, %select_n3A_499, %max3A_575 : vector<16xf32>
      %jit3A_614 = arith.constant 64 : i32
      %broadcast_in_dim3A_615 = vector.broadcast %jit3A_614 : i32 to vector<16xi32>
      %select_n3A_616 = arith.select %eq3A_613, %add3A_290, %broadcast_in_dim3A_615 : vector<16xi1>, vector<16xi32>
      %min3A_617 = arith.minsi %min3A_612, %select_n3A_616 : vector<16xi32>
      %eq3A_618 = arith.cmpf oeq, %select_n3A_503, %max3A_575 : vector<16xf32>
      %jit3A_619 = arith.constant 64 : i32
      %broadcast_in_dim3A_620 = vector.broadcast %jit3A_619 : i32 to vector<16xi32>
      %select_n3A_621 = arith.select %eq3A_618, %add3A_293, %broadcast_in_dim3A_620 : vector<16xi1>, vector<16xi32>
      %min3A_622 = arith.minsi %min3A_617, %select_n3A_621 : vector<16xi32>
      %eq3A_623 = arith.cmpf oeq, %select_n3A_507, %max3A_575 : vector<16xf32>
      %jit3A_624 = arith.constant 64 : i32
      %broadcast_in_dim3A_625 = vector.broadcast %jit3A_624 : i32 to vector<16xi32>
      %select_n3A_626 = arith.select %eq3A_623, %add3A_296, %broadcast_in_dim3A_625 : vector<16xi1>, vector<16xi32>
      %min3A_627 = arith.minsi %min3A_622, %select_n3A_626 : vector<16xi32>
      %eq3A_628 = arith.cmpf oeq, %select_n3A_511, %max3A_575 : vector<16xf32>
      %jit3A_629 = arith.constant 64 : i32
      %broadcast_in_dim3A_630 = vector.broadcast %jit3A_629 : i32 to vector<16xi32>
      %select_n3A_631 = arith.select %eq3A_628, %add3A_299, %broadcast_in_dim3A_630 : vector<16xi1>, vector<16xi32>
      %min3A_632 = arith.minsi %min3A_627, %select_n3A_631 : vector<16xi32>
      %eq3A_633 = arith.cmpf oeq, %select_n3A_515, %max3A_575 : vector<16xf32>
      %jit3A_634 = arith.constant 64 : i32
      %broadcast_in_dim3A_635 = vector.broadcast %jit3A_634 : i32 to vector<16xi32>
      %select_n3A_636 = arith.select %eq3A_633, %add3A_302, %broadcast_in_dim3A_635 : vector<16xi1>, vector<16xi32>
      %min3A_637 = arith.minsi %min3A_632, %select_n3A_636 : vector<16xi32>
      %eq3A_638 = arith.cmpf oeq, %select_n3A_519, %max3A_575 : vector<16xf32>
      %jit3A_639 = arith.constant 64 : i32
      %broadcast_in_dim3A_640 = vector.broadcast %jit3A_639 : i32 to vector<16xi32>
      %select_n3A_641 = arith.select %eq3A_638, %add3A_305, %broadcast_in_dim3A_640 : vector<16xi1>, vector<16xi32>
      %min3A_642 = arith.minsi %min3A_637, %select_n3A_641 : vector<16xi32>
      %eq3A_643 = arith.cmpf oeq, %select_n3A_523, %max3A_575 : vector<16xf32>
      %jit3A_644 = arith.constant 64 : i32
      %broadcast_in_dim3A_645 = vector.broadcast %jit3A_644 : i32 to vector<16xi32>
      %select_n3A_646 = arith.select %eq3A_643, %add3A_308, %broadcast_in_dim3A_645 : vector<16xi1>, vector<16xi32>
      %min3A_647 = arith.minsi %min3A_642, %select_n3A_646 : vector<16xi32>
      %eq3A_648 = arith.cmpf oeq, %select_n3A_527, %max3A_575 : vector<16xf32>
      %jit3A_649 = arith.constant 64 : i32
      %broadcast_in_dim3A_650 = vector.broadcast %jit3A_649 : i32 to vector<16xi32>
      %select_n3A_651 = arith.select %eq3A_648, %add3A_311, %broadcast_in_dim3A_650 : vector<16xi1>, vector<16xi32>
      %min3A_652 = arith.minsi %min3A_647, %select_n3A_651 : vector<16xi32>
      %eq3A_653 = arith.cmpf oeq, %select_n3A_531, %max3A_575 : vector<16xf32>
      %jit3A_654 = arith.constant 64 : i32
      %broadcast_in_dim3A_655 = vector.broadcast %jit3A_654 : i32 to vector<16xi32>
      %select_n3A_656 = arith.select %eq3A_653, %add3A_314, %broadcast_in_dim3A_655 : vector<16xi1>, vector<16xi32>
      %min3A_657 = arith.minsi %min3A_652, %select_n3A_656 : vector<16xi32>
      %iota3A_658 = tpu.iota {dimensions = array<i32: 0>} : vector<16xi32>
      %xor3A_659 = arith.constant 8 : i32
      %xor3A_660 = vector.broadcast %xor3A_659 : i32 to vector<16xi32>
      %xor3A_661 = arith.xori %iota3A_658, %xor3A_660 : vector<16xi32>
      %broadcast_in_dim3A_662 = vector.shape_cast %xor3A_661 : vector<16xi32> to vector<16x1xi32>
      %gather3A_663 = vector.shape_cast %broadcast_in_dim3A_662 : vector<16x1xi32> to vector<16xi32>
      %gather3A_664 = tpu.dynamic_gather %min3A_657[%gather3A_663] in [0] : vector<16xi32>, vector<16xi32> -> vector<16xi32>
      %min3A_665 = arith.minsi %min3A_657, %gather3A_664 : vector<16xi32>
      %xor3A_666 = arith.constant 4 : i32
      %xor3A_667 = vector.broadcast %xor3A_666 : i32 to vector<16xi32>
      %xor3A_668 = arith.xori %iota3A_658, %xor3A_667 : vector<16xi32>
      %broadcast_in_dim3A_669 = vector.shape_cast %xor3A_668 : vector<16xi32> to vector<16x1xi32>
      %gather3A_670 = vector.shape_cast %broadcast_in_dim3A_669 : vector<16x1xi32> to vector<16xi32>
      %gather3A_671 = tpu.dynamic_gather %min3A_665[%gather3A_670] in [0] : vector<16xi32>, vector<16xi32> -> vector<16xi32>
      %min3A_672 = arith.minsi %min3A_665, %gather3A_671 : vector<16xi32>
      %xor3A_673 = arith.constant 2 : i32
      %xor3A_674 = vector.broadcast %xor3A_673 : i32 to vector<16xi32>
      %xor3A_675 = arith.xori %iota3A_658, %xor3A_674 : vector<16xi32>
      %broadcast_in_dim3A_676 = vector.shape_cast %xor3A_675 : vector<16xi32> to vector<16x1xi32>
      %gather3A_677 = vector.shape_cast %broadcast_in_dim3A_676 : vector<16x1xi32> to vector<16xi32>
      %gather3A_678 = tpu.dynamic_gather %min3A_672[%gather3A_677] in [0] : vector<16xi32>, vector<16xi32> -> vector<16xi32>
      %min3A_679 = arith.minsi %min3A_672, %gather3A_678 : vector<16xi32>
      %xor3A_680 = arith.constant 1 : i32
      %xor3A_681 = vector.broadcast %xor3A_680 : i32 to vector<16xi32>
      %xor3A_682 = arith.xori %iota3A_658, %xor3A_681 : vector<16xi32>
      %broadcast_in_dim3A_683 = vector.shape_cast %xor3A_682 : vector<16xi32> to vector<16x1xi32>
      %gather3A_684 = vector.shape_cast %broadcast_in_dim3A_683 : vector<16x1xi32> to vector<16xi32>
      %gather3A_685 = tpu.dynamic_gather %min3A_679[%gather3A_684] in [0] : vector<16xi32>, vector<16xi32> -> vector<16xi32>
      %min3A_686 = arith.minsi %min3A_679, %gather3A_685 : vector<16xi32>
      %eq3A_687 = arith.constant 0 : i32
      %eq3A_688 = vector.broadcast %eq3A_687 : i32 to vector<16xi32>
      %eq3A_689 = arith.cmpi eq, %iota3A, %eq3A_688 : vector<16xi32>
      %eq3A_690 = arith.constant 1 : i32
      %eq3A_691 = vector.broadcast %eq3A_690 : i32 to vector<16xi32>
      %eq3A_692 = arith.cmpi eq, %iota3A, %eq3A_691 : vector<16xi32>
      %jit3A_693 = arith.constant 0 : i32
      %broadcast_in_dim3A_694 = vector.broadcast %jit3A_693 : i32 to vector<16xi32>
      %select_n3A_695 = arith.select %eq3A_692, %min3A_686, %broadcast_in_dim3A_694 : vector<16xi1>, vector<16xi32>
      %select_n3A_696 = arith.select %eq3A_689, %min3A_467, %select_n3A_695 : vector<16xi1>, vector<16xi32>
      %swap3A_697 = arith.constant 0 : index
      %swap3A_698 = tpu.vector_load %arg11[%swap3A_697] {strides = array<i32>} : memref<16xi32, #tpu.memory_space<vmem>>, vector<16xi32>,
      %swap3A_699 = vector.shape_cast %swap3A_698 : vector<16xi32> to vector<16xi32>
      %swap3A_700 = vector.shape_cast %select_n3A_696 : vector<16xi32> to vector<16xi32>
      tpu.vector_store %arg11[%swap3A_697], %swap3A_700 {strides = array<i32>} : memref<16xi32, #tpu.memory_space<vmem>>, vector<16xi32>,
      %eq3A_701 = arith.constant 0 : i32
      %eq3A_702 = vector.broadcast %eq3A_701 : i32 to vector<16xi32>
      %eq3A_703 = arith.cmpi eq, %iota3A, %eq3A_702 : vector<16xi32>
      %eq3A_704 = arith.constant 1 : i32
      %eq3A_705 = vector.broadcast %eq3A_704 : i32 to vector<16xi32>
      %eq3A_706 = arith.cmpi eq, %iota3A, %eq3A_705 : vector<16xi32>
      %jit3A_707 = arith.constant 0.000000e+00 : f32
      %broadcast_in_dim3A_708 = vector.broadcast %jit3A_707 : f32 to vector<16xf32>
      %select_n3A_709 = arith.select %eq3A_706, %max3A_575, %broadcast_in_dim3A_708 : vector<16xi1>, vector<16xf32>
      %select_n3A_710 = arith.select %eq3A_703, %max3A_357, %select_n3A_709 : vector<16xi1>, vector<16xf32>
      %swap3A_711 = arith.constant 0 : index
      %swap3A_712 = tpu.vector_load %arg12[%swap3A_711] {strides = array<i32>} : memref<16xf32, #tpu.memory_space<vmem>>, vector<16xf32>,
      %swap3A_713 = vector.shape_cast %swap3A_712 : vector<16xf32> to vector<16xf32>
      %swap3A_714 = vector.shape_cast %select_n3A_710 : vector<16xf32> to vector<16xf32>
      tpu.vector_store %arg12[%swap3A_711], %swap3A_714 {strides = array<i32>} : memref<16xf32, #tpu.memory_space<vmem>>, vector<16xf32>,
      "tpu.region"() ({
        %run_scoped3A = tpu.sem_alloc : memref<!tpu.dma_semaphore, #tpu.memory_space<semaphore_mem>>
        tpu.enqueue_dma source(%arg11 : memref<16xi32, #tpu.memory_space<vmem>>) target(%arg4 : memref<16xi32, #tpu.memory_space<hbm>>) target_semaphore(%run_scoped3A : memref<!tpu.dma_semaphore, #tpu.memory_space<semaphore_mem>>)
        tpu.wait_dma2 semaphore(%run_scoped3A : memref<!tpu.dma_semaphore, #tpu.memory_space<semaphore_mem>>) src(%arg11 : memref<16xi32, #tpu.memory_space<vmem>>) dst(%arg4 : memref<16xi32, #tpu.memory_space<hbm>>)
        tpu.yield
      }) : () -> ()
      "tpu.region"() ({
        %run_scoped3A = tpu.sem_alloc : memref<!tpu.dma_semaphore, #tpu.memory_space<semaphore_mem>>
        tpu.enqueue_dma source(%arg12 : memref<16xf32, #tpu.memory_space<vmem>>) target(%arg5 : memref<16xf32, #tpu.memory_space<hbm>>) target_semaphore(%run_scoped3A : memref<!tpu.dma_semaphore, #tpu.memory_space<semaphore_mem>>)
        tpu.wait_dma2 semaphore(%run_scoped3A : memref<!tpu.dma_semaphore, #tpu.memory_space<semaphore_mem>>) src(%arg12 : memref<16xf32, #tpu.memory_space<vmem>>) dst(%arg5 : memref<16xf32, #tpu.memory_space<hbm>>)
        tpu.yield
      }) : () -> ()
    } else {
    }
    return
  }
}

module attributes {stable_mosaic.version = 14 : i64} {
  func.func @_expert_body(%arg0: i32, %arg1: memref<16xi32, #tpu.memory_space<smem>>, %arg2: memref<16xf32, #tpu.memory_space<smem>>, %arg3: memref<1x64x4096xf32, #tpu.memory_space<vmem>>, %arg4: memref<1x64x4096xf32, #tpu.memory_space<vmem>>, %arg5: memref<1x4096xf32, #tpu.memory_space<vmem>>, %arg6: memref<8x4096xf32, #tpu.memory_space<vmem>>, %arg7: memref<1x4096xf32, #tpu.memory_space<vmem>>) attributes {dimension_semantics = [#tpu.dimension_semantics<arbitrary>], iteration_bounds = array<i64: 2>, scalar_prefetch = 2 : i64, scratch_operands = 0 : i64, tpu.core_type = #tpu.core_type<tc>, window_params = [{transform_indices = @transform_0, window_bounds = array<i64: 1, 64, 4096>}, {transform_indices = @transform_1, window_bounds = array<i64: 1, 64, 4096>}, {pipeline_mode = #tpu.pipeline_mode<synchronous>, transform_indices = @transform_2, window_bounds = array<i64: 1, 4096>}, {transform_indices = @transform_3, window_bounds = array<i64: 8, 4096>}, {pipeline_mode = #tpu.pipeline_mode<synchronous>, transform_indices = @transform_4, window_bounds = array<i64: 1, 4096>}]} {
    %get3A = arith.constant 0 : index
    %get3A_0 = arith.constant 0 : index
    %get3A_1 = arith.constant 0 : index
    %get3A_2 = vector.load %arg3[%get3A, %get3A_0, %get3A_1] : memref<1x64x4096xf32, #tpu.memory_space<vmem>>, vector<1x64x4096xf32>
    %get3A_3 = vector.shape_cast %get3A_2 : vector<1x64x4096xf32> to vector<64x4096xf32>
    %get3A_4 = arith.constant 0 : index
    %get3A_5 = arith.constant 0 : index
    %get3A_6 = arith.constant 0 : index
    %get3A_7 = vector.load %arg4[%get3A_4, %get3A_5, %get3A_6] : memref<1x64x4096xf32, #tpu.memory_space<vmem>>, vector<1x64x4096xf32>
    %get3A_8 = vector.shape_cast %get3A_7 : vector<1x64x4096xf32> to vector<64x4096xf32>
    %get3A_9 = arith.constant 0 : index
    %get3A_10 = arith.constant 0 : index
    %get3A_11 = vector.load %arg5[%get3A_9, %get3A_10] : memref<1x4096xf32, #tpu.memory_space<vmem>>, vector<1x4096xf32>
    %dot_general3A = arith.constant dense<0.000000e+00> : vector<1x64xf32>
    %dot_general3A_12 = tpu.matmul %get3A_11, %get3A_3, %dot_general3A {dimension_numbers = #tpu.dot_dimension_numbers<[1], [1], [0], [0], [0, 0, 1, 0], [], []>, transpose_lhs_hint = false} : vector<1x4096xf32>, vector<64x4096xf32>, vector<1x64xf32> -> vector<1x64xf32>
    %dot_general3A_13 = arith.constant dense<0.000000e+00> : vector<1x4096xf32>
    %dot_general3A_14 = tpu.matmul %dot_general3A_12, %get3A_8, %dot_general3A_13 {dimension_numbers = #tpu.dot_dimension_numbers<[1], [0], [0], [1], [0, 0, 1, 1], [], []>, transpose_lhs_hint = false} : vector<1x64xf32>, vector<64x4096xf32>, vector<1x4096xf32> -> vector<1x4096xf32>
    %ge3A = arith.constant 1.562500e-02 : f32
    %ge3A_15 = vector.broadcast %ge3A : f32 to vector<1x4096xf32>
    %ge3A_16 = arith.cmpf oge, %dot_general3A_14, %ge3A_15 : vector<1x4096xf32>
    %mul3A = arith.constant 0.00999999977 : f32
    %mul3A_17 = vector.broadcast %mul3A : f32 to vector<1x4096xf32>
    %mul3A_18 = arith.mulf %mul3A_17, %dot_general3A_14 : vector<1x4096xf32>
    %select_n3A = arith.select %ge3A_16, %dot_general3A_14, %mul3A_18 : vector<1x4096xi1>, vector<1x4096xf32>
    %dot_general3A_19 = arith.constant dense<0.000000e+00> : vector<1x64xf32>
    %dot_general3A_20 = tpu.matmul %select_n3A, %get3A_8, %dot_general3A_19 {dimension_numbers = #tpu.dot_dimension_numbers<[1], [1], [0], [0], [0, 0, 1, 0], [], []>, transpose_lhs_hint = false} : vector<1x4096xf32>, vector<64x4096xf32>, vector<1x64xf32> -> vector<1x64xf32>
    %dot_general3A_21 = arith.constant dense<0.000000e+00> : vector<1x4096xf32>
    %dot_general3A_22 = tpu.matmul %dot_general3A_20, %get3A_3, %dot_general3A_21 {dimension_numbers = #tpu.dot_dimension_numbers<[1], [0], [0], [1], [0, 0, 1, 1], [], []>, transpose_lhs_hint = false} : vector<1x64xf32>, vector<64x4096xf32>, vector<1x4096xf32> -> vector<1x4096xf32>
    %get3A_23 = arith.index_cast %arg0 : i32 to index
    %get3A_24 = memref.load %arg1[%get3A_23] : memref<16xi32, #tpu.memory_space<smem>>
    %rem3A = arith.constant 8 : i32
    %rem3A_25 = arith.remsi %get3A_24, %rem3A : i32
    %get3A_26 = arith.index_cast %rem3A_25 : i32 to index
    %get3A_27 = arith.constant 0 : index
    %get3A_28 = vector.load %arg6[%get3A_26, %get3A_27] : memref<8x4096xf32, #tpu.memory_space<vmem>>, vector<1x4096xf32>
    %get3A_29 = arith.index_cast %arg0 : i32 to index
    %get3A_30 = memref.load %arg2[%get3A_29] : memref<16xf32, #tpu.memory_space<smem>>
    %mul3A_31 = vector.broadcast %get3A_30 : f32 to vector<1x4096xf32>
    %mul3A_32 = arith.mulf %mul3A_31, %get3A_28 : vector<1x4096xf32>
    %add3A = arith.addf %dot_general3A_22, %mul3A_32 : vector<1x4096xf32>
    %eq3A = arith.constant 0 : i32
    %eq3A_33 = arith.cmpi eq, %arg0, %eq3A : i32
    %convert_element_type3A = arith.extui %eq3A_33 : i1 to i32
    %cond3A = arith.constant 0 : i32
    %cond3A_34 = arith.cmpi ne, %convert_element_type3A, %cond3A : i32
    scf.if %cond3A_34 {
      %swap3A = arith.constant 0 : index
      %swap3A_39 = arith.constant 0 : index
      %swap3A_40 = vector.load %arg7[%swap3A, %swap3A_39] : memref<1x4096xf32, #tpu.memory_space<vmem>>, vector<1x4096xf32>
      tpu.vector_store %arg7[%swap3A, %swap3A_39], %add3A {strides = array<i32>} : memref<1x4096xf32, #tpu.memory_space<vmem>>, vector<1x4096xf32>,
    } else {
    }
    %ne3A = arith.constant 0 : i32
    %ne3A_35 = arith.cmpi ne, %arg0, %ne3A : i32
    %convert_element_type3A_36 = arith.extui %ne3A_35 : i1 to i32
    %cond3A_37 = arith.constant 0 : i32
    %cond3A_38 = arith.cmpi ne, %convert_element_type3A_36, %cond3A_37 : i32
    scf.if %cond3A_38 {
      %get3A_39 = arith.constant 0 : index
      %get3A_40 = arith.constant 0 : index
      %get3A_41 = vector.load %arg7[%get3A_39, %get3A_40] : memref<1x4096xf32, #tpu.memory_space<vmem>>, vector<1x4096xf32>
      %add3A_42 = arith.addf %get3A_41, %add3A : vector<1x4096xf32>
      %swap3A = arith.constant 0 : index
      %swap3A_43 = arith.constant 0 : index
      %swap3A_44 = vector.load %arg7[%swap3A, %swap3A_43] : memref<1x4096xf32, #tpu.memory_space<vmem>>, vector<1x4096xf32>
      tpu.vector_store %arg7[%swap3A, %swap3A_43], %add3A_42 {strides = array<i32>} : memref<1x4096xf32, #tpu.memory_space<vmem>>, vector<1x4096xf32>,
    } else {
    }
    return
  }
  func.func @transform_0(%arg0: i32, %arg1: memref<16xi32, #tpu.memory_space<smem>>, %arg2: memref<16xf32, #tpu.memory_space<smem>>) -> (i32, i32, i32) {
    %get3A = arith.index_cast %arg0 : i32 to index
    %get3A_0 = memref.load %arg1[%get3A] : memref<16xi32, #tpu.memory_space<smem>>
    %c0_i32 = arith.constant 0 : i32
    %c0_i32_1 = arith.constant 0 : i32
    %c0_i32_2 = arith.constant 0 : i32
    return %get3A_0, %c0_i32, %c0_i32_1 : i32, i32, i32
  }
  func.func @transform_1(%arg0: i32, %arg1: memref<16xi32, #tpu.memory_space<smem>>, %arg2: memref<16xf32, #tpu.memory_space<smem>>) -> (i32, i32, i32) {
    %get3A = arith.index_cast %arg0 : i32 to index
    %get3A_0 = memref.load %arg1[%get3A] : memref<16xi32, #tpu.memory_space<smem>>
    %c0_i32 = arith.constant 0 : i32
    %c0_i32_1 = arith.constant 0 : i32
    %c0_i32_2 = arith.constant 0 : i32
    return %get3A_0, %c0_i32, %c0_i32_1 : i32, i32, i32
  }
  func.func @transform_2(%arg0: i32, %arg1: memref<16xi32, #tpu.memory_space<smem>>, %arg2: memref<16xf32, #tpu.memory_space<smem>>) -> (i32, i32) {
    %c0_i32 = arith.constant 0 : i32
    %c0_i32_0 = arith.constant 0 : i32
    %c0_i32_1 = arith.constant 0 : i32
    return %c0_i32, %c0_i32_0 : i32, i32
  }
  func.func @transform_3(%arg0: i32, %arg1: memref<16xi32, #tpu.memory_space<smem>>, %arg2: memref<16xf32, #tpu.memory_space<smem>>) -> (i32, i32) {
    %get3A = arith.index_cast %arg0 : i32 to index
    %get3A_0 = memref.load %arg1[%get3A] : memref<16xi32, #tpu.memory_space<smem>>
    %jit3A = arith.constant 8 : i32
    %div3A = arith.divsi %get3A_0, %jit3A : i32
    %sign3A = arith.constant 0 : i32
    %sign3A_1 = arith.cmpi sgt, %get3A_0, %sign3A : i32
    %sign3A_2 = arith.extui %sign3A_1 : i1 to i32
    %sign3A_3 = arith.constant 0 : i32
    %sign3A_4 = arith.cmpi slt, %get3A_0, %sign3A_3 : i32
    %sign3A_5 = arith.extui %sign3A_4 : i1 to i32
    %sign3A_6 = arith.subi %sign3A_2, %sign3A_5 : i32
    %sign3A_7 = arith.constant 0 : i32
    %sign3A_8 = arith.cmpi sgt, %jit3A, %sign3A_7 : i32
    %sign3A_9 = arith.extui %sign3A_8 : i1 to i32
    %sign3A_10 = arith.constant 0 : i32
    %sign3A_11 = arith.cmpi slt, %jit3A, %sign3A_10 : i32
    %sign3A_12 = arith.extui %sign3A_11 : i1 to i32
    %sign3A_13 = arith.subi %sign3A_9, %sign3A_12 : i32
    %ne3A = arith.cmpi ne, %sign3A_6, %sign3A_13 : i32
    %rem3A = arith.remsi %get3A_0, %jit3A : i32
    %ne3A_14 = arith.constant 0 : i32
    %ne3A_15 = arith.cmpi ne, %rem3A, %ne3A_14 : i32
    %and3A = arith.andi %ne3A, %ne3A_15 : i1
    %sub3A = arith.constant 1 : i32
    %sub3A_16 = arith.subi %div3A, %sub3A : i32
    %select_n3A = arith.select %and3A, %sub3A_16, %div3A : i32
    %c0_i32 = arith.constant 0 : i32
    %c0_i32_17 = arith.constant 0 : i32
    return %select_n3A, %c0_i32 : i32, i32
  }
  func.func @transform_4(%arg0: i32, %arg1: memref<16xi32, #tpu.memory_space<smem>>, %arg2: memref<16xf32, #tpu.memory_space<smem>>) -> (i32, i32) {
    %c0_i32 = arith.constant 0 : i32
    %c0_i32_0 = arith.constant 0 : i32
    %c0_i32_1 = arith.constant 0 : i32
    return %c0_i32, %c0_i32_0 : i32, i32
  }
}

</mosaic_0001>

<sc_bundles>
// kernel: kernel.4.cloned.1.call-start
scs
__scs_entry_jumppad:
0x0: {  	(pc) =	sbr.rel $0x88, $3  }
0x1: {  	(tag) =	ssettag $0x0;
	lr =	simm.s32 $0x1  }
0x2: {  	[smem:$0x3F9D] =	sst lr;
	_ =	strace $0xD0000000  }
0x3: {  	_ = 	snop  }
0x4: {  	_ = 	snop  }
0x5: {  	_ = 	snop  }
0x6: {  	_ = 	snop  }
0x7: {  	_ = 	snop  }
__scs_overlays_trampoline_lowered:
0x8: {  	[smem:$0x3FAC] =	sst s0  }
0x9: {  	[smem:$0x3FAD] =	sst s1  }
0xa: {  	[smem:$0x3FAE] =	sst s2  }
0xb: {  	[smem:$0x3FAF] =	sst s3  }
0xc: {  	[smem:$0x3FB0] =	sst s4  }
0xd: {  	[smem:$0x3FB1] =	sst s5  }
0xe: {  	[smem:$0x3FB2] =	sst s6  }
0xf: {  	[smem:$0x3FB3] =	sst s7  }
0x10: {  	[smem:$0x3FB4] =	sst s8  }
0x11: {  	[smem:$0x3FB5] =	sst s9;
	s0 =	simm.s32 @!p0 $0x0  }
0x12: {  	s1 =	sld [smem:$0x3F9B];
	s0 =	simm.s32 @p0 $0x1  }
0x13: {  	[smem:$0x3FB6] =	sst s0;
	s0 =	simm.s32 @!p1 $0x0  }
0x14: {  	s2 =	sld [smem:$0x3F9A];
	s0 =	simm.s32 @p1 $0x1  }
0x15: {  	[smem:$0x3FB7] =	sst s0;
	s0 =	simm.s32 @!p2 $0x0  }
0x16: {  	s3 =	sld [smem:$0x3FDB];
	s0 =	simm.s32 @p2 $0x1  }
0x17: {  	s4 =	simm.s32 $0x1BF5;
	[smem:$0x3FB9] =	sst s0  }
0x18: {  	s0 =	sld [smem:$0x3F9C];
	_ =	swait.ge [sflag:s4], $0x0  }
0x19: {  	s7 =	sld [smem:$0x3F9D]  }
0x1a: {  	s8 =	sadd.s32 $0xFFFFE003, lr  }
0x1b: {  	s9 =	sadd.s32 $0xFFFFFEF7, lr;
	s5 =	simm.s32 $0xFFFFFFFF;
	p2 =	slt.u32 s8, $0xFFFFF086  }
0x1c: {  	p1 =	slt.u32 s9, $0xF7A;
	s5 =	simm.s32 @!p2 $0x0  }
0x1d: {  	s5 =	simm.s32 @p1 $0x1;
	p0 =	seq.s32 s7, s2  }
0x1e: {  	s7 =	smul.u32 @!p0 $0xF7A, s2;
	p2 =	seq.s32 @!p0 s5, $0x0  }
0x1f: {  	s9 =	smul.u32 $0xF7A, s1;
	s8 =	simm.s32 @!p0 $0x1BF5;
	p2 =	por !p2, p0  }
0x20: {  	[sflag:s8] =	ssyncset.s32 @!p0 $0xFFFFF086;
	s6 =	sadd.s32 @!p0 s3, s7;
	s7 =	simm.s32 @!p0 $0x108  }
0x21: {  	s3 =	sadd.s32 s3, s9;
	s6 =	sadd.s32 @!p0 $0x88, s6;
	s7 =	simm.s32 @p2 $0x1082  }
0x22: {  	[simem:s7], [sflag:s8] =	dma.local @!p0 [hbm:s6], $0xF7A  }
0x23: {  	s9 =	sor.u32 $0xD0000000, s2;
	s6 =	simm.s32 $0x108;
	_ =	swait.ge @!p0 [sflag:s8], $0x0  }
0x24: {  	s3 =	sadd.s32 $0x88, s3;
	s6 =	simm.s32 @!p1 $0x1082;
	[sflag:s4] =	ssyncset.s32 $0xFFFFF086  }
0x25: {  	[simem:s6], [sflag:s4] =	dma.local [hbm:s3], $0xF7A  }
0x26: {  	[smem:$0x3F9D] =	sst s1;
	(tag) =	ssettag s2;
	_ =	strace s9  }
0x27: {  	s1 =	sld [smem:$0x3FAD]  }
0x28: {  	s2 =	sld [smem:$0x3FAE]  }
0x29: {  	s4 =	sld [smem:$0x3FB0]  }
0x2a: {  	p0 =	seq.s32 s5, $0x0;
	s5 =	sld [smem:$0x3FB1]  }
0x2b: {  	s6 =	sld [smem:$0x3FB2]  }
0x2c: {  	s7 =	sld [smem:$0x3FB3]  }
0x2d: {  	s3 =	simm.s32 $0x108;
	s8 =	sld [smem:$0x3FB4]  }
0x2e: {  	s3 =	simm.s32 @!p0 $0x1082;
	s9 =	sld [smem:$0x3FB5]  }
0x2f: {  	lr =	sadd.s32 s0, s3;
	s0 =	sld [smem:$0x3FAC]  }
0x30: {  	s3 =	sld [smem:$0x3FAF]  }
0x31: {  	[smem:$0x3FB8] =	sst s10  }
0x32: {  	s10 =	sld [smem:$0x3FB6];
	_ =	sdelay $0x3  }
0x33: {  	p0 =	seq.s32 s10, $0x1;
	s10 =	sld [smem:$0x3FB8];
	_ =	sdelay $0x3  }
0x34: {  	[smem:$0x3FB8] =	sst s10  }
0x35: {  	s10 =	sld [smem:$0x3FB7];
	_ =	sdelay $0x3  }
0x36: {  	p1 =	seq.s32 s10, $0x1;
	s10 =	sld [smem:$0x3FB8];
	_ =	sdelay $0x3  }
0x37: {  	[smem:$0x3FB8] =	sst s10  }
0x38: {  	s10 =	sld [smem:$0x3FB9]  }
0x39: {  	_ = 	snop;
	(pc) =	sbr.ind lr, $3  }
0x3a: {  	_ = 	snop  }
0x3b: {  	_ = 	snop  }
0x3c: {  	p2 =	seq.s32 s10, $0x1;
	s10 =	sld [smem:$0x3FB8]  }
0x3d: {  	_ =	shalt  }
0x3e: {  	_ =	shalt  }
0x3f: {  	_ =	shalt  }
0x40: {  	_ =	shalt  }
0x41: {  	_ =	shalt  }
0x42: {  	_ =	shalt  }
0x43: {  	_ =	shalt  }
0x44: {  	_ =	shalt  }
0x45: {  	_ =	shalt  }
0x46: {  	_ =	shalt  }
0x47: {  	_ =	shalt  }
0x48: {  	_ =	shalt  }
0x49: {  	_ =	shalt  }
0x4a: {  	_ =	shalt  }
0x4b: {  	_ =	shalt  }
0x4c: {  	_ =	shalt  }
0x4d: {  	_ =	shalt  }
0x4e: {  	_ =	shalt  }
0x4f: {  	_ =	shalt  }
0x50: {  	_ =	shalt  }
0x51: {  	_ =	shalt  }
0x52: {  	_ =	shalt  }
0x53: {  	_ =	shalt  }
0x54: {  	_ =	shalt  }
0x55: {  	_ =	shalt  }
0x56: {  	_ =	shalt  }
0x57: {  	_ =	shalt  }
0x58: {  	_ =	shalt  }
0x59: {  	_ =	shalt  }
0x5a: {  	_ =	shalt  }
0x5b: {  	_ =	shalt  }
0x5c: {  	_ =	shalt  }
0x5d: {  	_ =	shalt  }
0x5e: {  	_ =	shalt  }
0x5f: {  	_ =	shalt  }
0x60: {  	_ =	shalt  }
0x61: {  	_ =	shalt  }
0x62: {  	_ =	shalt  }
0x63: {  	_ =	shalt  }
0x64: {  	_ =	shalt  }
0x65: {  	_ =	shalt  }
0x66: {  	_ =	shalt  }
0x67: {  	_ =	shalt  }
0x68: {  	_ =	shalt  }
0x69: {  	_ =	shalt  }
0x6a: {  	_ =	shalt  }
0x6b: {  	_ =	shalt  }
0x6c: {  	_ =	shalt  }
0x6d: {  	_ =	shalt  }
0x6e: {  	_ =	shalt  }
0x6f: {  	_ =	shalt  }
0x70: {  	_ =	shalt  }
0x71: {  	_ =	shalt  }
0x72: {  	_ =	shalt  }
0x73: {  	_ =	shalt  }
0x74: {  	_ =	shalt  }
0x75: {  	_ =	shalt  }
0x76: {  	_ =	shalt  }
0x77: {  	_ =	shalt  }
0x78: {  	_ =	shalt  }
0x79: {  	_ =	shalt  }
0x7a: {  	_ =	shalt  }
0x7b: {  	_ =	shalt  }
0x7c: {  	_ =	shalt  }
0x7d: {  	_ =	shalt  }
0x7e: {  	_ =	shalt  }
0x7f: {  	_ =	shalt  }
0x80: {  	_ =	shalt  }
0x81: {  	_ =	shalt  }
0x82: {  	_ =	shalt  }
0x83: {  	_ =	shalt  }
0x84: {  	_ =	shalt  }
0x85: {  	_ =	shalt  }
0x86: {  	_ =	shalt  }
0x87: {  	_ =	shalt  }
.Lfunc_end0:
.L_simem_size_0:
called_computation_lowered:
.L_overlay_start_0:
0x88: {  	s0 =	sld [smem:$0x3FD9]  }
0x89: {  	s1 =	sld [smem:$0x3FFE];
	_ =	sdelay $0x3  }
0x8a: {  	s0 =	sadd.s32 s1, s0  }
0x8b: {  	[smem:$0x3FC4] =	sst s0  }
0x8c: {  	_ = 	snop  }
0x8d: {  	s0 =	sld [smem:$0x3FC9]  }
0x8e: {  	s16 =	sld [smem:$0x3FC8]  }
0x8f: {  	s2 =	sld [smem:$0x3FD0];
	(tm) =	ssettm $0x1  }
0x90: {  	s3 =	sld [smem:$0x3FFB];
	_ =	sdelay $0x3  }
0x91: {  	_ =	strace s3  }
0x92: {  	s3 =	sld [smem:$0x3FFC];
	_ =	sdelay $0x3  }
0x93: {  	_ =	strace s3  }
0x94: {  	s3 =	sld [smem:$0x3FFD];
	_ =	sdelay $0x3  }
0x95: {  	_ =	strace s3  }
0x96: {  	_ =	strace $0x8FFFFFFF  }
0x97: {  	s17 =	sld [smem:$0x3FDB];
	_ =	sdelay $0x1  }
0x98: {  	s4 =	simm.s32 $_scs_section_size  }
0x99: {  	s5 =	simm.s32 $_size__tile_overlayer_lowered;
	s6 =	simm.s32 $_tile_overlayer_lowered  }
0x9a: {  	s20 =	simm.s32 $0x1BFF;
	s19 =	sshll.u32 s6, $0x1;
	s3 =	sadd.s32 s4, s17  }
0x9b: {  	s7 =	simm.s32 $0x0;
	s18 =	sshll.u32 s5, $0x1;
	s5 =	sadd.s32 s19, s3  }
0x9c: {  	[timem:s7], [sflag:s20] =	dma.local [hbm:s5], s18  }
0x9d: {  	_ =	swait.ge [sflag:s20], s18  }
0x9e: {  	s4 =	ssub.s32 $0x0, s18;
	[sflag:s20] =	ssyncset.done $0x0  }
0x9f: {  	[sflag:s20] =	ssyncadd.s32 s4;
	_ =	sdelay $0x1  }
0xa0: {  	s21 =	simm.s32 $0x1B8B  }
0xa1: {  	_ =	swait.ge [sflag:s21], $0x1  }
0xa2: {  	[sflag:s21] =	ssyncset.done $0x0  }
0xa3: {  	s23 =	simm.s32 $0x1B8E;
	s22 =	sld [smem:$0x3FFE];
	[sflag:s21] =	ssyncadd.s32 $0xFFFFFFFF  }
0xa4: {  	s24 =	simm.s32 $execute0_lowered;
	[smem:$0x3FD2] =	sst s23  }
0xa5: {  	s5 =	sshll.u32 s24, $0x1;
	_ =	strace $0x80000046;
	[dreg:$0x1] =	wrdreg $0xFFFFFFFF  }
0xa6: {  	s25 =	simm.s32 $_size_execute0_lowered;
	s3 =	sadd.s32 s3, s5;
	[dreg:$0x0] =	wrdreg $0x0  }
0xa7: {  	s5 =	sshll.u32 s25, $0x1;
	[dreg:$0x2] =	wrdreg s3  }
0xa8: {  	[dreg:$0x3] =	wrdreg s5  }
0xa9: {  	[dreg:$0x4] =	wrdreg $0xC0  }
0xaa: {  	_ =	task [dreg:s7], $0x5FFFF  }
0xab: {  	[dreg:$0x1] =	wrdreg $0xFFFFFFFF  }
0xac: {  	[dreg:$0x0] =	wrdreg $0x60  }
0xad: {  	[dreg:$0x2] =	wrdreg s0  }
0xae: {  	[dreg:$0x3] =	wrdreg s16  }
0xaf: {  	[dreg:$0x4] =	wrdreg s2  }
0xb0: {  	[dreg:$0x5] =	wrdreg s22  }
0xb1: {  	[dreg:$0x6] =	wrdreg $0x50800  }
0xb2: {  	[dreg:$0x7] =	wrdreg $0x9  }
0xb3: {  	_ =	task.clear_ibuf [dreg:s7], $0x8FFFF;
	_ =	strace $0x90000046  }
0xb4: {  	s26 =	simm.s32 $0x9;
	_ =	strace $0x80000048  }
0xb5: {  	_ =	swait.ge [sflag:s26], $0x1  }
0xb6: {  	[sflag:s26] =	ssyncadd.s32 $0xFFFFFFFF  }
0xb7: {  	_ =	strace $0x90000048  }
0xb8: {  	_ =	sfence  }
0xb9: {  	s28 =	sld [smem:$0x0];
	_ =	sdelay $0x1  }
0xba: {  	s29 =	srdreg.scid  }
0xbb: {  	s30 =	sshll.u32 s29, $0xD;
	s31 =	sshrl.u32 s29, $0x2  }
0xbc: {  	s1 =	sand.u32 $0x1, s29;
	s2 =	sand.u32 $0x4000, s30;
	s0 =	sadd.s32 s31, s28  }
0xbd: {  	s1 =	sor.u32 s2, s1;
	s0 =	sshll.u32 s0, $0x11  }
0xbe: {  	s0 =	sor.u32 s0, s1  }
0xbf: {  	s0 =	sadd.s32 $0x8F2B, s0  }
0xc0: {  	[sflag:s0] =	ssyncadd.remote.s32 $0x1  }
0xc1: {  	_ =	sfence.sel $0xFFFF  }
0xc2: {  	[dreg:$0x0] =	wrdreg $0xFFFFFFFF;
	(pc) =	sbr.abs _section_cstart, $3  }
0xc3: {  	[dreg:$0x1] =	wrdreg $0xFFFFFFFF  }
0xc4: {  	_ =	task.clear_ibuf [dreg:s7], $0x2FFFF;
	_ =	strace $0x9FFFFFFF  }
0xc5: {  	(tm) =	ssettm $0x7FFFFFFF  }
tec
execute0_lowered:
.L_overlay_start_1:
0x0: {  	(tag) =	ssettag $0x1  }
0x1: {  	s2 =	rddreg [dreg:$0x0]  }
0x2: {  	s7 =	rddreg [dreg:$0x1]  }
0x3: {  	s1 =	rddreg [dreg:$0x2]  }
0x4: {  	s8 =	rddreg [dreg:$0x3]  }
0x5: {  	s3 =	rddreg [dreg:$0x4]  }
0x6: {  	s0 =	rddreg [dreg:$0x5];
	s6 =	simm.s32 $0x0;
	s4 =	stileid.u32  }
0x7: {  	[smem:$0x7FF] =	sst s6;
	s9 =	sshll.u32 s4, $0xE;
	s5 =	sshll.u32 s4, $0x9  }
0x8: {  	s26 =	simm.s32 $0x1;
	_ =	strace $0x80000047;
	s25 =	sor.u32 s5, s9  }
0x9: {  	[tilespmem:s6], [sflag:$0x1] =	stream.linear.gather [hbm4b:s2+s6], $0x1000, $0x38;
	[tilespmem:$0x5990] =	vst v63  }
0xa: {  	s28 =	simm.s32 $0x200;
	s2 =	sand.u32 $0x38200, s25;
	_ =	swait.ge [sflag:s26], $0x1000  }
0xb: {  	s10 =	simm.s32 $0x400;
	s2 =	sshrl.u32 s2, $0x3;
	[sflag:s26] =	ssyncset.done $0x0  }
0xc: {  	s11 =	simm.s32 $0x1000;
	s2 =	sadd.s32 s7, s2;
	[sflag:s26] =	ssyncadd.s32 $0xFFFFF000  }
0xd: {  	[tilespmem:s11], [sflag:$0x1] =	stream.strided.gather [hbm4b:s2+s28], $0x4000, s10, s28, $0x38;
	[tilespmem:$0x5990] =	vst v63  }
0xe: {  	_ =	swait.ge [sflag:s26], $0x4000  }
0xf: {  	s29 =	sand.u32 $0xF800, s6;
	[sflag:s26] =	ssyncset.done $0x0  }
0x10: {  	s30 =	sand.u32 $0x70, s6;
	s2 =	sshrl.u32 s29, $0x2;
	[sflag:s26] =	ssyncadd.s32 $0xFFFFC000  }
0x11: {  	s31 =	sor.u32 s30, s2;
	v1 =	vld [tilespmem:s6+$0x0]  }
0x12: {  	v2 =	vld [tilespmem:s31+$0x1000]  }
0x13: {  	v0 =	vimm.f32 $0.0e+00;
	s7 =	simm.s32 $0x10;
	s2 =	sadd.s32 $0x1000, s8;
	s8 =	simm.s32 $0x100  }
.LBB2_1:
0x14: {  	s9 =	sand.u32 $0xF800, s8;
	p0 =	sne.s32 s7, $0xFF0  }
0x15: {  	s10 =	smov.u32 s7;
	s7 =	sadd.s32 $0x10, s7;
	s6 =	sadd.s32 $0x10, s6  }
.Ltmp0:
0x16: {  	s10 =	sand.u32 $0x70, s10;
	s9 =	sshrl.u32 s9, $0x2;
	(pc) =	sbr.rel @p0 .LBB2_1-.Ltmp0, $4  }
0x17: {  	s9 =	sor.u32 s10, s9;
	v3 =	vmul.f32 v1, v2;
	v1 =	vld [tilespmem:s6+$0x0]  }
0x18: {  	v2 =	vld [tilespmem:s9+$0x1000]  }
0x19: {  	v0 =	vadd.f32 v3, v0  }
0x1a: {  	s8 =	sadd.s32 $0x100, s8  }
0x1b: {  	v3 =	vimm.s32 $0xFEDCBA98  }
0x1c: {  	v4 =	vimm.s32 $0x76543210;
	v3 =	vunpack.c.l.s4.s8 v3  }
0x1d: {  	v4 =	vunpack.c.l.s4.s8 v4  }
0x1e: {  	v1 =	vmul.f32 v1, v2;
	v2 =	vunpack.c.0.s8.s32 v3  }
0x1f: {  	v3 =	vunpack.c.0.s8.s32 v4  }
0x20: {  	v0 =	vadd.f32 v1, v0;
	v1 =	vand.u32 $0xF, v2  }
0x21: {  	v2 =	vimm.s32 $0xBA98FEDC;
	v1 =	vcombine.low v1, v3;
	v3 =	vimm.s32 $0x32107654  }
0x22: {  	v2 =	vunpack.c.l.s4.s8 v2;
	v3 =	vunpack.c.l.s4.s8 v3  }
0x23: {  	v1 =	vperm.xlane v0, v1  }
0x24: {  	v2 =	vunpack.c.0.s8.s32 v2;
	v3 =	vunpack.c.0.s8.s32 v3  }
0x25: {  	v0 =	vadd.f32 v1, v0  }
0x26: {  	v1 =	vcombine.low v3, v2;
	v2 =	vimm.s32 $0xDCFE98BA;
	v3 =	vimm.s32 $0x54761032  }
0x27: {  	v2 =	vunpack.c.l.s4.s8 v2;
	v3 =	vunpack.c.l.s4.s8 v3  }
0x28: {  	v1 =	vperm.xlane v0, v1  }
0x29: {  	v2 =	vunpack.c.0.s8.s32 v2;
	v3 =	vunpack.c.0.s8.s32 v3  }
0x2a: {  	v4 =	vimm.s32 $0x67452301;
	v0 =	vadd.f32 v1, v0;
	v1 =	vimm.s32 $0xEFCDAB89  }
0x2b: {  	v2 =	vcombine.low v3, v2;
	v1 =	vunpack.c.l.s4.s8 v1;
	v3 =	vunpack.c.l.s4.s8 v4  }
0x2c: {  	s6 =	simm.s32 $0x0  }
0x2d: {  	s7 =	sand.u32 $0xF800, s6;
	v2 =	vperm.xlane v0, v2;
	v4 =	vunpack.c.0.s8.s32 v1;
	v3 =	vunpack.c.0.s8.s32 v3  }
0x2e: {  	s8 =	sand.u32 $0x70, s6;
	s7 =	sshrl.u32 s7, $0x2  }
0x2f: {  	s8 =	sor.u32 s8, s7;
	v1 =	vadd.f32 v2, v0;
	v0 =	vcombine.low v3, v4;
	v3 =	vld [tilespmem:s6+$0x0]  }
0x30: {  	v4 =	vld [tilespmem:s8+$0x1080]  }
0x31: {  	s7 =	simm.s32 $0x10;
	s8 =	simm.s32 $0x100;
	v2 =	vperm.xlane v1, v0;
	v0 =	vimm.f32 $0.0e+00  }
.LBB2_3:
0x32: {  	s9 =	sand.u32 $0xF800, s8;
	p0 =	sne.s32 s7, $0xFF0  }
0x33: {  	s10 =	smov.u32 s7;
	s7 =	sadd.s32 $0x10, s7;
	s6 =	sadd.s32 $0x10, s6  }
.Ltmp1:
0x34: {  	s10 =	sand.u32 $0x70, s10;
	s9 =	sshrl.u32 s9, $0x2;
	(pc) =	sbr.rel @p0 .LBB2_3-.Ltmp1, $4  }
0x35: {  	s9 =	sor.u32 s10, s9;
	v5 =	vmul.f32 v3, v4;
	v3 =	vld [tilespmem:s6+$0x0]  }
0x36: {  	v4 =	vld [tilespmem:s9+$0x1080]  }
0x37: {  	v0 =	vadd.f32 v5, v0  }
0x38: {  	s8 =	sadd.s32 $0x100, s8  }
0x39: {  	v5 =	vimm.s32 $0xFEDCBA98  }
0x3a: {  	v6 =	vimm.s32 $0x76543210;
	v5 =	vunpack.c.l.s4.s8 v5  }
0x3b: {  	v6 =	vunpack.c.l.s4.s8 v6  }
0x3c: {  	v3 =	vmul.f32 v3, v4;
	v4 =	vunpack.c.0.s8.s32 v5  }
0x3d: {  	v5 =	vunpack.c.0.s8.s32 v6  }
0x3e: {  	v0 =	vadd.f32 v3, v0;
	v3 =	vand.u32 $0xF, v4  }
0x3f: {  	v4 =	vimm.s32 $0xBA98FEDC;
	v3 =	vcombine.low v3, v5;
	v5 =	vimm.s32 $0x32107654  }
0x40: {  	v4 =	vunpack.c.l.s4.s8 v4;
	v5 =	vunpack.c.l.s4.s8 v5  }
0x41: {  	v3 =	vperm.xlane v0, v3  }
0x42: {  	v4 =	vunpack.c.0.s8.s32 v4;
	v5 =	vunpack.c.0.s8.s32 v5  }
0x43: {  	v0 =	vadd.f32 v3, v0  }
0x44: {  	v3 =	vcombine.low v5, v4;
	v4 =	vimm.s32 $0xDCFE98BA;
	v5 =	vimm.s32 $0x54761032  }
0x45: {  	v4 =	vunpack.c.l.s4.s8 v4;
	v5 =	vunpack.c.l.s4.s8 v5  }
0x46: {  	v3 =	vperm.xlane v0, v3  }
0x47: {  	v4 =	vunpack.c.0.s8.s32 v4;
	v5 =	vunpack.c.0.s8.s32 v5  }
0x48: {  	v6 =	vimm.s32 $0x67452301;
	v0 =	vadd.f32 v3, v0;
	v3 =	vimm.s32 $0xEFCDAB89  }
0x49: {  	v4 =	vcombine.low v5, v4;
	v3 =	vunpack.c.l.s4.s8 v3;
	v5 =	vunpack.c.l.s4.s8 v6  }
0x4a: {  	s6 =	simm.s32 $0x0  }
0x4b: {  	s7 =	sand.u32 $0xF800, s6;
	v4 =	vperm.xlane v0, v4;
	v6 =	vunpack.c.0.s8.s32 v3;
	v5 =	vunpack.c.0.s8.s32 v5  }
0x4c: {  	s8 =	sand.u32 $0x70, s6;
	s7 =	sshrl.u32 s7, $0x2  }
0x4d: {  	s8 =	sor.u32 s8, s7;
	v3 =	vadd.f32 v4, v0;
	v0 =	vcombine.low v5, v6;
	v5 =	vld [tilespmem:s6+$0x0]  }
0x4e: {  	v6 =	vld [tilespmem:s8+$0x1100]  }
0x4f: {  	s7 =	simm.s32 $0x10;
	s8 =	simm.s32 $0x100;
	v4 =	vperm.xlane v3, v0;
	v0 =	vimm.f32 $0.0e+00  }
.LBB2_5:
0x50: {  	s9 =	sand.u32 $0xF800, s8;
	p0 =	sne.s32 s7, $0xFF0  }
0x51: {  	s10 =	smov.u32 s7;
	s7 =	sadd.s32 $0x10, s7;
	s6 =	sadd.s32 $0x10, s6  }
.Ltmp2:
0x52: {  	s10 =	sand.u32 $0x70, s10;
	s9 =	sshrl.u32 s9, $0x2;
	(pc) =	sbr.rel @p0 .LBB2_5-.Ltmp2, $4  }
0x53: {  	s9 =	sor.u32 s10, s9;
	v7 =	vmul.f32 v5, v6;
	v5 =	vld [tilespmem:s6+$0x0]  }
0x54: {  	v6 =	vld [tilespmem:s9+$0x1100]  }
0x55: {  	v0 =	vadd.f32 v7, v0  }
0x56: {  	s8 =	sadd.s32 $0x100, s8  }
0x57: {  	v7 =	vimm.s32 $0xFEDCBA98  }
0x58: {  	v8 =	vimm.s32 $0x76543210;
	v7 =	vunpack.c.l.s4.s8 v7  }
0x59: {  	v8 =	vunpack.c.l.s4.s8 v8  }
0x5a: {  	v5 =	vmul.f32 v5, v6;
	v6 =	vunpack.c.0.s8.s32 v7  }
0x5b: {  	v7 =	vunpack.c.0.s8.s32 v8  }
0x5c: {  	v0 =	vadd.f32 v5, v0;
	v5 =	vand.u32 $0xF, v6  }
0x5d: {  	v6 =	vimm.s32 $0xBA98FEDC;
	v5 =	vcombine.low v5, v7;
	v7 =	vimm.s32 $0x32107654  }
0x5e: {  	v6 =	vunpack.c.l.s4.s8 v6;
	v7 =	vunpack.c.l.s4.s8 v7  }
0x5f: {  	v5 =	vperm.xlane v0, v5  }
0x60: {  	v6 =	vunpack.c.0.s8.s32 v6;
	v7 =	vunpack.c.0.s8.s32 v7  }
0x61: {  	v0 =	vadd.f32 v5, v0  }
0x62: {  	v5 =	vcombine.low v7, v6;
	v6 =	vimm.s32 $0xDCFE98BA;
	v7 =	vimm.s32 $0x54761032  }
0x63: {  	v6 =	vunpack.c.l.s4.s8 v6;
	v7 =	vunpack.c.l.s4.s8 v7  }
0x64: {  	v5 =	vperm.xlane v0, v5  }
0x65: {  	v6 =	vunpack.c.0.s8.s32 v6;
	v7 =	vunpack.c.0.s8.s32 v7  }
0x66: {  	v8 =	vimm.s32 $0x67452301;
	v0 =	vadd.f32 v5, v0;
	v5 =	vimm.s32 $0xEFCDAB89  }
0x67: {  	s6 =	simm.s32 $0x0;
	v6 =	vcombine.low v7, v6;
	v5 =	vunpack.c.l.s4.s8 v5;
	v7 =	vunpack.c.l.s4.s8 v8  }
0x68: {  	s7 =	sand.u32 $0xF800, s6  }
0x69: {  	s8 =	sand.u32 $0x70, s6;
	s7 =	sshrl.u32 s7, $0x2;
	v6 =	vperm.xlane v0, v6;
	v5 =	vunpack.c.0.s8.s32 v5;
	v7 =	vunpack.c.0.s8.s32 v7  }
0x6a: {  	s8 =	sor.u32 s8, s7  }
0x6b: {  	v8 =	vld [tilespmem:s8+$0x1180];
	v6 =	vadd.f32 v6, v0;
	v0 =	vcombine.low v7, v5  }
0x6c: {  	v5 =	vld [tilespmem:s6+$0x0]  }
0x6d: {  	s7 =	simm.s32 $0x10;
	s8 =	simm.s32 $0x100;
	v7 =	vperm.xlane v6, v0;
	v0 =	vimm.f32 $0.0e+00  }
.LBB2_7:
0x6e: {  	s9 =	sand.u32 $0xF800, s8;
	p0 =	sne.s32 s7, $0xFF0  }
0x6f: {  	s10 =	smov.u32 s7;
	s7 =	sadd.s32 $0x10, s7;
	s6 =	sadd.s32 $0x10, s6  }
.Ltmp3:
0x70: {  	s10 =	sand.u32 $0x70, s10;
	s9 =	sshrl.u32 s9, $0x2;
	(pc) =	sbr.rel @p0 .LBB2_7-.Ltmp3, $4  }
0x71: {  	s9 =	sor.u32 s10, s9;
	v9 =	vmul.f32 v5, v8;
	v5 =	vld [tilespmem:s6+$0x0]  }
0x72: {  	v8 =	vld [tilespmem:s9+$0x1180]  }
0x73: {  	v0 =	vadd.f32 v9, v0  }
0x74: {  	s8 =	sadd.s32 $0x100, s8  }
0x75: {  	v9 =	vimm.s32 $0xFEDCBA98  }
0x76: {  	v10 =	vimm.s32 $0x76543210;
	v9 =	vunpack.c.l.s4.s8 v9  }
0x77: {  	v10 =	vunpack.c.l.s4.s8 v10  }
0x78: {  	v5 =	vmul.f32 v5, v8;
	v8 =	vunpack.c.0.s8.s32 v9  }
0x79: {  	v9 =	vunpack.c.0.s8.s32 v10  }
0x7a: {  	v5 =	vadd.f32 v5, v0;
	v0 =	vand.u32 $0xF, v8  }
0x7b: {  	v8 =	vimm.s32 $0xBA98FEDC;
	v0 =	vcombine.low v0, v9;
	v9 =	vimm.s32 $0x32107654  }
0x7c: {  	v8 =	vunpack.c.l.s4.s8 v8;
	v9 =	vunpack.c.l.s4.s8 v9  }
0x7d: {  	v10 =	vperm.xlane v5, v0  }
0x7e: {  	v8 =	vunpack.c.0.s8.s32 v8;
	v9 =	vunpack.c.0.s8.s32 v9  }
0x7f: {  	v10 =	vadd.f32 v10, v5  }
0x80: {  	v5 =	vcombine.low v9, v8;
	v8 =	vimm.s32 $0xDCFE98BA;
	v9 =	vimm.s32 $0x54761032  }
0x81: {  	v8 =	vunpack.c.l.s4.s8 v8;
	v9 =	vunpack.c.l.s4.s8 v9  }
0x82: {  	v11 =	vperm.xlane v10, v5  }
0x83: {  	v8 =	vunpack.c.0.s8.s32 v8;
	v9 =	vunpack.c.0.s8.s32 v9  }
0x84: {  	v12 =	vimm.s32 $0xEFCDAB89;
	v13 =	vimm.s32 $0x67452301;
	v10 =	vadd.f32 v11, v10  }
0x85: {  	v11 =	vcombine.low v9, v8;
	v8 =	vunpack.c.l.s4.s8 v12;
	v9 =	vunpack.c.l.s4.s8 v13;
	_ =	sdelay $0x1  }
0x86: {  	v63 =	vperm.xlane v10, v11;
	v8 =	vunpack.c.0.s8.s32 v8;
	v9 =	vunpack.c.0.s8.s32 v9  }
0x87: {  	v2 =	vadd.f32 v2, v1  }
0x88: {  	v3 =	vadd.f32 v4, v3;
	v4 =	vadd.f32 v63, v10;
	v1 =	vcombine.low v9, v8  }
0x89: {  	v6 =	vadd.f32 v7, v6  }
0x8a: {  	vm0 =	vge.f32 v2, $1.562500000e-02;
	vm1 =	vge.f32 v3, $1.562500000e-02;
	v7 =	vperm.xlane v4, v1  }
0x8b: {  	v2 =	vnsel vm0, $0x0, v2;
	v3 =	vnsel vm1, $0x0, v3;
	vm0 =	vmmov $0x1  }
0x8c: {  	vm1 =	vcmask $0x310;
	v2 =	vnsel vm0, $0xBF800000, v2;
	v4 =	vadd.f32 v7, v4  }
0x8d: {  	v2 =	vsel vm1, v2, v3;
	vm1 =	vge.f32 v6, $1.562500000e-02  }
0x8e: {  	v3 =	vnsel vm1, $0x0, v6;
	vm1 =	vcmask $0x710;
	vm2 =	vge.f32 v4, $1.562500000e-02  }
0x8f: {  	v2 =	vsel vm1, v2, v3;
	vm1 =	vcmask $0xB10;
	v3 =	vnsel vm2, $0x0, v4  }
0x90: {  	s5 =	sshrl.u32 s5, $0x2;
	v2 =	vsel vm1, v2, v3  }
0x91: {  	s6 =	simm.s32 $0x5000;
	s5 =	sadd.s32 s5, s3;
	[tilespmem:$0x5000] =	vst v2  }
0x92: {  	[spmem:s5] =	stream.linear.scatter [tilespmem:s6], [sflag:$0x1], $0x80, $0x38;
	[tilespmem:$0x5990] =	vst v63  }
0x93: {  	s5 =	simm.s32 $0x1  }
0x94: {  	_ =	swait.ge [sflag:s5], $0x80  }
0x95: {  	[sflag:s5] =	ssyncset.done $0x0  }
0x96: {  	[sflag:s5] =	ssyncadd.s32 $0xFFFFFF80  }
0x97: {  	p0 =	sne.s32 s4, $0x0;
	[bflag:$0x0] =	sbarrier.arrive $0xFFFF  }
0x98: {  	_ =	sfence.sel @p0 $0x180000  }
0x99: {  	[bflag:$0x0] =	sbarrier.arrive @p0 $0xFFFF  }
0x9a: {  	_ =	strace @p0 $0x90000047  }
0x9b: {  	[bflag:$0x2] =	sbarrier.arrive @p0 $0xFFFF  }
0x9c: {  	_ =	shalt @p0  }
.LBB2_9:
0x9d: {  	s4 =	simm.s32 $0x5090  }
0x9e: {  	[tilespmem:s4], [sflag:$0x1] =	stream.linear.gather [spmem:s3], $0x800, $0x38;
	[tilespmem:$0x5990] =	vst v63  }
0x9f: {  	_ =	swait.ge [sflag:s5], $0x800  }
0xa0: {  	[sflag:s5] =	ssyncset.done $0x0  }
0xa1: {  	[sflag:s5] =	ssyncadd.s32 $0xFFFFF800  }
0xa2: {  	v12 =	vld [tilespmem:$0x5090]  }
0xa3: {  	v13 =	vld [tilespmem:$0x5110]  }
0xa4: {  	v14 =	vld [tilespmem:$0x5190]  }
0xa5: {  	v15 =	vld [tilespmem:$0x5210]  }
0xa6: {  	v16 =	vld [tilespmem:$0x5290]  }
0xa7: {  	v17 =	vld [tilespmem:$0x5310]  }
0xa8: {  	v18 =	vld [tilespmem:$0x5390];
	v2 =	vmax.f32 v12, v13  }
0xa9: {  	v19 =	vld [tilespmem:$0x5410];
	v2 =	vmax.f32 v2, v14  }
0xaa: {  	v20 =	vld [tilespmem:$0x5490];
	v2 =	vmax.f32 v2, v15  }
0xab: {  	v21 =	vld [tilespmem:$0x5510];
	v2 =	vmax.f32 v2, v16  }
0xac: {  	v10 =	vld [tilespmem:$0x5590];
	v2 =	vmax.f32 v2, v17  }
0xad: {  	v22 =	vld [tilespmem:$0x5610];
	v2 =	vmax.f32 v2, v18  }
0xae: {  	v9 =	vld [tilespmem:$0x5690];
	v2 =	vmax.f32 v2, v19  }
0xaf: {  	v8 =	vld [tilespmem:$0x5710];
	v2 =	vmax.f32 v2, v20  }
0xb0: {  	v7 =	vld [tilespmem:$0x5790];
	v2 =	vmax.f32 v2, v21  }
0xb1: {  	v6 =	vld [tilespmem:$0x5810];
	v2 =	vmax.f32 v2, v10  }
0xb2: {  	v2 =	vmax.f32 v2, v22  }
0xb3: {  	v2 =	vmax.f32 v2, v9  }
0xb4: {  	v2 =	vmax.f32 v2, v8  }
0xb5: {  	v2 =	vmax.f32 v2, v7  }
0xb6: {  	v2 =	vmax.f32 v2, v6  }
0xb7: {  	v3 =	vperm.xlane v2, v0;
	_ =	sdelay $0x1  }
0xb8: {  	v49 =	vand.u32 $0xF, v5;
	v3 =	vmax.f32 v2, v3  }
0xb9: {  	v4 =	vperm.xlane v3, v49;
	_ =	sdelay $0x1  }
0xba: {  	v50 =	vand.u32 $0xF, v11;
	v4 =	vmax.f32 v3, v4  }
0xbb: {  	v51 =	vperm.xlane v4, v50  }
0xbc: {  	v52 =	vand.u32 $0xF, v1  }
0xbd: {  	v53 =	vimm.s32 $0x3F3E3D3C;
	vm2 =	vcmask $0xF00;
	v5 =	vmax.f32 v4, v51  }
0xbe: {  	v54 =	vimm.s32 $0x3B3A3938;
	v23 =	vimm.s32 $0x37363534;
	v1 =	vperm.xlane v5, v52  }
0xbf: {  	vm6 =	vcmask $0x1F10;
	v11 =	vunpack.c.0.s8.s32 v54;
	v23 =	vunpack.c.0.s8.s32 v23  }
0xc0: {  	vm7 =	vcmask $0x2F20;
	v1 =	vmax.f32 v5, v1;
	v5 =	vunpack.c.0.s8.s32 v53  }
0xc1: {  	v56 =	vlaneseq.u32;
	v26 =	vnsel vm2, $0x40, v11;
	v23 =	vnsel vm2, $0x40, v23  }
0xc2: {  	v11 =	vsel vm6, v11, v23;
	vm1 =	veq.f32 v6, v1;
	v24 =	vnsel vm2, $0x40, v5  }
0xc3: {  	vm5 =	veq.f32 v7, v1;
	v26 =	vsel vm6, v5, v26;
	v25 =	vnsel vm1, $0x40, v24  }
0xc4: {  	vm3 =	veq.f32 v8, v1;
	v11 =	vsel vm7, v5, v11;
	v55 =	vsel vm5, v26, v25  }
0xc5: {  	v57 =	vor.u32 $0x30, v56;
	vm8 =	veq.f32 v9, v1;
	v23 =	vsel vm3, v11, v55  }
0xc6: {  	v27 =	vadd.s32 $0x2C, v56;
	vm9 =	veq.f32 v22, v1;
	v23 =	vsel vm8, v57, v23  }
0xc7: {  	v28 =	vadd.s32 $0x28, v56;
	vm10 =	veq.f32 v10, v1;
	v23 =	vsel vm9, v27, v23  }
0xc8: {  	v29 =	vadd.s32 $0x24, v56;
	vm11 =	veq.f32 v21, v1;
	v23 =	vsel vm10, v28, v23  }
0xc9: {  	v30 =	vor.u32 $0x20, v56;
	vm12 =	veq.f32 v20, v1;
	v23 =	vsel vm11, v29, v23  }
0xca: {  	v31 =	vadd.s32 $0x1C, v56;
	vm13 =	veq.f32 v19, v1;
	v23 =	vsel vm12, v30, v23  }
0xcb: {  	v32 =	vadd.s32 $0x18, v56;
	vm14 =	veq.f32 v18, v1;
	v23 =	vsel vm13, v31, v23  }
0xcc: {  	v33 =	vadd.s32 $0x14, v56;
	vm15 =	veq.f32 v17, v1;
	v23 =	vsel vm14, v32, v23  }
0xcd: {  	v34 =	vor.u32 $0x10, v56;
	vm4 =	veq.f32 v16, v1;
	v23 =	vsel vm15, v33, v23  }
0xce: {  	v35 =	vadd.s32 $0xC, v56;
	vm5 =	veq.f32 v15, v1;
	v23 =	vsel vm4, v34, v23  }
0xcf: {  	v36 =	vadd.s32 $0x8, v56;
	vm6 =	veq.f32 v14, v1;
	v23 =	vsel vm5, v35, v23  }
0xd0: {  	v37 =	vadd.s32 $0x4, v56;
	vm7 =	veq.f32 v13, v1;
	v23 =	vsel vm6, v36, v23  }
0xd1: {  	vm8 =	veq.f32 v12, v1;
	v23 =	vsel vm7, v37, v23  }
0xd2: {  	v23 =	vsel vm8, v56, v23  }
0xd3: {  	v38 =	vperm.xlane v23, v0;
	_ =	sdelay $0x1  }
0xd4: {  	vm1 =	vlt.s32 v23, v38  }
0xd5: {  	v23 =	vsel vm1, v23, v38  }
0xd6: {  	v38 =	vperm.xlane v23, v49;
	_ =	sdelay $0x1  }
0xd7: {  	vm1 =	vlt.s32 v23, v38  }
0xd8: {  	v23 =	vsel vm1, v23, v38  }
0xd9: {  	v38 =	vperm.xlane v23, v50;
	_ =	sdelay $0x1  }
0xda: {  	vm1 =	vlt.s32 v23, v38  }
0xdb: {  	v23 =	vsel vm1, v23, v38  }
0xdc: {  	v38 =	vperm.xlane v23, v52;
	_ =	sdelay $0x1  }
0xdd: {  	vm1 =	vlt.s32 v23, v38  }
0xde: {  	v39 =	vadd.s32 $0x34, v56;
	v59 =	vadd.s32 $0x38, v56;
	v23 =	vsel vm1, v23, v38  }
0xdf: {  	v60 =	vadd.s32 $0x3C, v56;
	vm1 =	veq.s32 v23, v56;
	vm9 =	veq.s32 v23, v37  }
0xe0: {  	vm10 =	veq.s32 v23, v36;
	v12 =	vsel vm1, $0xC0000000, v12;
	v13 =	vsel vm9, $0xC0000000, v13  }
0xe1: {  	vm11 =	veq.s32 v23, v35;
	v14 =	vsel vm10, $0xC0000000, v14;
	v58 =	vmax.f32 v12, v13  }
0xe2: {  	vm12 =	veq.s32 v23, v34;
	v15 =	vsel vm11, $0xC0000000, v15;
	v38 =	vmax.f32 v58, v14  }
0xe3: {  	vm13 =	veq.s32 v23, v33;
	v16 =	vsel vm12, $0xC0000000, v16;
	v38 =	vmax.f32 v38, v15  }
0xe4: {  	vm14 =	veq.s32 v23, v32;
	v17 =	vsel vm13, $0xC0000000, v17;
	v38 =	vmax.f32 v38, v16  }
0xe5: {  	vm15 =	veq.s32 v23, v31;
	v18 =	vsel vm14, $0xC0000000, v18;
	v38 =	vmax.f32 v38, v17  }
0xe6: {  	vm4 =	veq.s32 v23, v30;
	v19 =	vsel vm15, $0xC0000000, v19;
	v38 =	vmax.f32 v38, v18  }
0xe7: {  	vm5 =	veq.s32 v23, v29;
	v20 =	vsel vm4, $0xC0000000, v20;
	v38 =	vmax.f32 v38, v19  }
0xe8: {  	vm6 =	veq.s32 v23, v28;
	v21 =	vsel vm5, $0xC0000000, v21;
	v38 =	vmax.f32 v38, v20  }
0xe9: {  	vm7 =	veq.s32 v23, v27;
	v10 =	vsel vm6, $0xC0000000, v10;
	v38 =	vmax.f32 v38, v21  }
0xea: {  	vm8 =	veq.s32 v23, v57;
	v22 =	vsel vm7, $0xC0000000, v22;
	v38 =	vmax.f32 v38, v10  }
0xeb: {  	v9 =	vsel vm8, $0xC0000000, v9;
	vm9 =	veq.s32 v23, v39;
	v38 =	vmax.f32 v38, v22  }
0xec: {  	vm10 =	veq.s32 v23, v59;
	v8 =	vsel vm9, $0xC0000000, v8;
	v38 =	vmax.f32 v38, v9  }
0xed: {  	vm11 =	veq.s32 v23, v60;
	v7 =	vsel vm10, $0xC0000000, v7;
	v38 =	vmax.f32 v38, v8  }
0xee: {  	v6 =	vsel vm11, $0xC0000000, v6;
	v38 =	vmax.f32 v38, v7  }
0xef: {  	v38 =	vmax.f32 v38, v6  }
0xf0: {  	v61 =	vperm.xlane v38, v0;
	_ =	sdelay $0x1  }
0xf1: {  	v38 =	vmax.f32 v38, v61  }
0xf2: {  	v39 =	vperm.xlane v38, v49;
	_ =	sdelay $0x1  }
0xf3: {  	v38 =	vmax.f32 v38, v39  }
0xf4: {  	v39 =	vperm.xlane v38, v50;
	_ =	sdelay $0x1  }
0xf5: {  	v38 =	vmax.f32 v38, v39  }
0xf6: {  	v39 =	vperm.xlane v38, v52;
	_ =	sdelay $0x1  }
0xf7: {  	v38 =	vmax.f32 v38, v39  }
0xf8: {  	vm1 =	veq.f32 v6, v38  }
0xf9: {  	vm12 =	veq.f32 v7, v38;
	v6 =	vnsel vm1, $0x40, v24  }
0xfa: {  	vm13 =	veq.f32 v8, v38;
	v6 =	vsel vm12, v26, v6  }
0xfb: {  	vm14 =	veq.f32 v9, v38;
	v6 =	vsel vm13, v11, v6  }
0xfc: {  	vm15 =	veq.f32 v22, v38;
	v6 =	vsel vm14, v57, v6  }
0xfd: {  	vm4 =	veq.f32 v10, v38;
	v6 =	vsel vm15, v27, v6  }
0xfe: {  	vm5 =	veq.f32 v21, v38;
	v6 =	vsel vm4, v28, v6  }
0xff: {  	vm6 =	veq.f32 v20, v38;
	v6 =	vsel vm5, v29, v6  }
0x100: {  	vm7 =	veq.f32 v19, v38;
	v6 =	vsel vm6, v30, v6  }
0x101: {  	vm8 =	veq.f32 v18, v38;
	v6 =	vsel vm7, v31, v6  }
0x102: {  	vm9 =	veq.f32 v17, v38;
	v6 =	vsel vm8, v32, v6  }
0x103: {  	vm10 =	veq.f32 v16, v38;
	v6 =	vsel vm9, v33, v6  }
0x104: {  	vm11 =	veq.f32 v15, v38;
	v6 =	vsel vm10, v34, v6  }
0x105: {  	vm12 =	veq.f32 v14, v38;
	v6 =	vsel vm11, v35, v6  }
0x106: {  	vm13 =	veq.f32 v13, v38;
	v6 =	vsel vm12, v36, v6  }
0x107: {  	vm14 =	veq.f32 v12, v38;
	v6 =	vsel vm13, v37, v6  }
0x108: {  	v5 =	vsel vm14, v56, v6  }
0x109: {  	v62 =	vperm.xlane v5, v0;
	_ =	sdelay $0x1  }
0x10a: {  	vm1 =	vlt.s32 v5, v62  }
0x10b: {  	v0 =	vsel vm1, v5, v62  }
0x10c: {  	v2 =	vperm.xlane v0, v49;
	_ =	sdelay $0x1  }
0x10d: {  	vm1 =	vlt.s32 v0, v2  }
0x10e: {  	v0 =	vsel vm1, v0, v2  }
0x10f: {  	v2 =	vperm.xlane v0, v50;
	_ =	sdelay $0x1  }
0x110: {  	vm1 =	vlt.s32 v0, v2  }
0x111: {  	v0 =	vsel vm1, v0, v2  }
0x112: {  	v2 =	vperm.xlane v0, v52;
	_ =	sdelay $0x1  }
0x113: {  	vm15 =	vcmask $0x3F08;
	vm1 =	vlt.s32 v0, v2  }
0x114: {  	v63 =	vsel vm15, $0x0, v38;
	v0 =	vsel vm1, v0, v2  }
0x115: {  	v1 =	vsel vm0, v1, v63;
	v0 =	vsel vm15, $0x0, v0  }
0x116: {  	[tilespmem:$0x5910] =	vst v1;
	v0 =	vsel vm0, v23, v0  }
0x117: {  	s29 =	simm.s32 $0x0;
	s30 =	simm.s32 $0x5890;
	[tilespmem:$0x5890] =	vst v0  }
0x118: {  	[hbm4b:s1+s29] =	stream.linear.scatter [tilespmem:s30], [sflag:$0x1], $0x80, $0x38;
	[tilespmem:$0x5990] =	vst v63  }
0x119: {  	_ =	swait.ge [sflag:s5], $0x80  }
0x11a: {  	[sflag:s5] =	ssyncset.done $0x0  }
0x11b: {  	s31 =	simm.s32 $0x5910;
	[sflag:s5] =	ssyncadd.s32 $0xFFFFFF80  }
0x11c: {  	[hbm4b:s2+s29] =	stream.linear.scatter [tilespmem:s31], [sflag:$0x1], $0x80, $0x38;
	[tilespmem:$0x5990] =	vst v63  }
0x11d: {  	_ =	swait.ge [sflag:s5], $0x80  }
0x11e: {  	[sflag:s5] =	ssyncset.done $0x0  }
0x11f: {  	[sflag:s5] =	ssyncadd.s32 $0xFFFFFF80  }
0x120: {  	_ =	sfence.sel $0x180000  }
0x121: {  	[bflag:$0x0] =	sbarrier.arrive $0xFFFF  }
0x122: {  	_ =	strace $0x90000047  }
0x123: {  	s0 =	sadd.s32 $0x100000, s0;
	[bflag:$0x2] =	sbarrier.arrive $0xFFFF  }
0x124: {  	[sflag:s0] =	ssyncadd.tile.s32 $0x1;
	_ =	shalt  }
.Lfunc_end2:
_tile_overlayer_lowered:
.L_overlay_start_2:
0x125: {  	(tag) =	ssettag $0x2  }
0x126: {  	s0 =	rddreg [dreg:$0x0];
	s2 =	stileid.u32  }
0x127: {  	s1 =	rddreg [dreg:$0x1];
	p0 =	sne.s32 s2, $0x0  }
0x128: {  	s3 =	rddreg [dreg:$0x2];
	[bflag:$0x3] =	sbarrier.arrive $0xFFFF;
	s2 =	simm.s32 @!p0 $0x1C01  }
0x129: {  	[timem:s3], [sflag:s2] =	dma.local @!p0 [hbm:s0], s1  }
0x12a: {  	s0 =	simm.s32 @!p0 $0x1  }
0x12b: {  	_ =	swait.ge @!p0 [sflag:s0], s1  }
0x12c: {  	s1 =	ssub.s32 @!p0 $0x0, s1;
	[sflag:s0] =	ssyncset.done @!p0 $0x0  }
0x12d: {  	[sflag:s0] =	ssyncadd.s32 @!p0 s1  }
0x12e: {  	[bflag:$0x3] =	sbarrier.arrive $0xFFFF  }
0x12f: {  	_ =	shalt  }

</sc_bundles>
